<compile_context>
chip_gen: v7x
topology: tpu7x:2x2x1
jax: 0.10.2.dev20260603
libtpu: 0.0.44.dev20260713+nightly
codegen_flags: <defaults>
</compile_context>

<pallas_src>
import functools

import jax
import jax.numpy as jnp
from jax import lax
from jax.experimental import pallas as pl
from jax.experimental.pallas import tpu as pltpu
from jax.experimental.pallas import tpu_sc as plsc

_N = 10000
_E = 320000
_D = 128
_H = 128
_C = 16
_G = 512

_NC = 2
_NS = 16
_NW = _NC * _NS
_EPW = _E // _NW
_CH = 128
_NCHUNK = -(-_EPW // _CH)
_EPW_PAD = _NCHUNK * _CH
_ACC_ROWS = _NCHUNK * _CH
_ROWS_PER_SUB = _ACC_ROWS // _NS


def _sc_agg_body(x_hbm, src_hbm, dst_hbm, out_hbm, src_v, dst_v, gbuf, acc, sem):
    c = lax.axis_index("c")
    s = lax.axis_index("s")
    wid = c * _NS + s

    pltpu.sync_copy(src_hbm.at[wid], src_v)
    pltpu.sync_copy(dst_hbm.at[wid], dst_v)

    zero = jnp.zeros((16,), jnp.float32)

    def _zrow(i, carry):
        for j in range(_D // 16):
            gbuf[i, pl.ds(j * 16, 16)] = zero
        return carry

    lax.fori_loop(0, _CH, _zrow, 0)

    def _zacc(t, carry):
        @pl.when(lax.rem(t, _NS) == s)
        def _():
            pltpu.sync_copy(gbuf, acc.at[pl.ds(t * _CH, _CH)])
        return carry

    lax.fori_loop(0, _ACC_ROWS // _CH, _zacc, 0)
    plsc.subcore_barrier()

    def _body(g, carry):
        pltpu.async_copy(x_hbm.at[src_v.at[g]], gbuf, sem).wait()
        pltpu.sync_copy(gbuf, acc.at[dst_v.at[g]], add=True)
        return carry

    lax.fori_loop(0, _NCHUNK, _body, 0)
    plsc.subcore_barrier()

    pltpu.sync_copy(
        acc.at[pl.ds(s * _ROWS_PER_SUB, _ROWS_PER_SUB)],
        out_hbm.at[c, pl.ds(s * _ROWS_PER_SUB, _ROWS_PER_SUB)],
    )


_sc_agg = pl.kernel(
    _sc_agg_body,
    out_type=jax.ShapeDtypeStruct((_NC, _ACC_ROWS, _D), jnp.float32),
    mesh=plsc.VectorSubcoreMesh(core_axis_name="c", subcore_axis_name="s"),
    scratch_types=[
        pltpu.VMEM((_NCHUNK, _CH), jnp.int32),
        pltpu.VMEM((_NCHUNK, _CH), jnp.int32),
        pltpu.VMEM((_CH, _D), jnp.float32),
        pltpu.VMEM_SHARED((_ACC_ROWS, _D), jnp.float32),
        pltpu.SemaphoreType.DMA,
    ],
)


def _dense_body(x_ref, p_ref, wa_ref, g_ref, b_ref, wb_ref, o_ref):
    z = x_ref[...] + p_ref[0, : _N, :] + p_ref[1, : _N, :]
    h = jnp.dot(z, wa_ref[...], preferred_element_type=jnp.float32)
    mu = jnp.mean(h, axis=0, keepdims=True)
    d = h - mu
    var = jnp.mean(d * d, axis=0, keepdims=True)
    hn = g_ref[...] * d * lax.rsqrt(var + 1e-5) + b_ref[...]
    a = jnp.maximum(hn, 0.0)
    o_ref[...] = jnp.maximum(
        jnp.dot(a, wb_ref[...], preferred_element_type=jnp.float32), 0.0
    )


def _dense_layer(x, parts, wa, g, b, wb):
    return pl.pallas_call(
        _dense_body,
        out_shape=jax.ShapeDtypeStruct((_N, _H), jnp.float32),
    )(x, parts, wa, g.reshape(1, _H), b.reshape(1, _H), wb)


_POOL_CHUNK = 1000


def _head_body(h_ref, batch_ref, wl1_ref, wl2_ref, bl2_ref, o_ref):
    sums = jnp.zeros((_G, _H), jnp.float32)
    cnt = jnp.zeros((_G, 1), jnp.float32)
    ones = jnp.ones((_POOL_CHUNK, 1), jnp.float32)
    for i in range(_N // _POOL_CHUNK):
        hb = h_ref[pl.ds(i * _POOL_CHUNK, _POOL_CHUNK), :]
        bb = batch_ref[pl.ds(i * _POOL_CHUNK, _POOL_CHUNK), :]
        gid = lax.broadcasted_iota(jnp.int32, (_POOL_CHUNK, _G), 1)
        onehot = (bb == gid).astype(jnp.float32)
        sums = sums + lax.dot_general(
            onehot, hb, (((0,), (0,)), ((), ())),
            preferred_element_type=jnp.float32,
        )
        cnt = cnt + lax.dot_general(
            onehot, ones, (((0,), (0,)), ((), ())),
            preferred_element_type=jnp.float32,
        )
    pooled = sums / jnp.clip(cnt, 1.0, None)
    t = jnp.maximum(
        jnp.dot(pooled, wl1_ref[...], preferred_element_type=jnp.float32), 0.0
    )
    logits = jnp.dot(t, wl2_ref[...], preferred_element_type=jnp.float32) + bl2_ref[...]
    m = jnp.max(logits, axis=1, keepdims=True)
    lse = jnp.log(jnp.sum(jnp.exp(logits - m), axis=1, keepdims=True)) + m
    o_ref[...] = logits - lse


def _head(h, batch_col, wl1, wl2, bl2):
    return pl.pallas_call(
        _head_body,
        out_shape=jax.ShapeDtypeStruct((_G, _C), jnp.float32),
    )(h, batch_col, wl1, wl2, bl2.reshape(1, _C))


@jax.jit
def kernel(x, edge_index, batch, W1a, g1, b1, W1b, W2a, g2, b2, W2b, W3a, g3, b3, W3b, Wl1, Wl2, bl2):
    pad = _EPW_PAD - _EPW
    src = jnp.concatenate(
        [edge_index[0].reshape(_NW, _EPW),
         jnp.zeros((_NW, pad), jnp.int32)], axis=1
    ).reshape(_NW, _NCHUNK, _CH)
    dst = jnp.concatenate(
        [edge_index[1].reshape(_NW, _EPW),
         jnp.full((_NW, pad), _N, jnp.int32)], axis=1
    ).reshape(_NW, _NCHUNK, _CH)

    h = x
    for wa, g, b, wb in ((W1a, g1, b1, W1b), (W2a, g2, b2, W2b), (W3a, g3, b3, W3b)):
        parts = _sc_agg(h, src, dst)
        h = _dense_layer(h, parts, wa, g, b, wb)

    return _head(h, batch.reshape(_N, 1), Wl1, Wl2, bl2)

# --- scband reference (transcript-rebuilt; emitter-appended) ---
"""Pipeline reference for scband-gin-90056874262917 (READ-ONLY COPY).

The authoritative reference and input builder live on the scoring server;
editing this copy changes nothing except your own understanding.
"""

import jax, jax.numpy as jnp
import numpy as np

N = 10000
E = 320000
D = 128
H = 128
C = 16
G = 512


def setup_inputs(seed: int = 0) -> dict:
    key = jax.random.key(seed)
    ks = jax.random.split(key, 20)
    x = jax.random.normal(ks[0], (N, D), dtype=jnp.float32)
    edge_index = jax.random.randint(ks[1], (2, E), 0, N, dtype=jnp.int32)
    batch = jnp.sort(jax.random.randint(ks[2], (N,), 0, G, dtype=jnp.int32))
    s = 0.05
    inp = {
        "x": x,
        "edge_index": edge_index,
        "batch": batch,
        "W1a": jax.random.normal(ks[3], (D, H), dtype=jnp.float32) * s,
        "g1": jnp.ones((H,), dtype=jnp.float32),
        "b1": jnp.zeros((H,), dtype=jnp.float32),
        "W1b": jax.random.normal(ks[4], (H, H), dtype=jnp.float32) * s,
        "W2a": jax.random.normal(ks[5], (H, H), dtype=jnp.float32) * s,
        "g2": jnp.ones((H,), dtype=jnp.float32),
        "b2": jnp.zeros((H,), dtype=jnp.float32),
        "W2b": jax.random.normal(ks[6], (H, H), dtype=jnp.float32) * s,
        "W3a": jax.random.normal(ks[7], (H, H), dtype=jnp.float32) * s,
        "g3": jnp.ones((H,), dtype=jnp.float32),
        "b3": jnp.zeros((H,), dtype=jnp.float32),
        "W3b": jax.random.normal(ks[8], (H, H), dtype=jnp.float32) * s,
        "Wl1": jax.random.normal(ks[9], (H, H), dtype=jnp.float32) * s,
        "Wl2": jax.random.normal(ks[10], (H, C), dtype=jnp.float32) * s,
        "bl2": jnp.zeros((C,), dtype=jnp.float32),
    }
    return inp


def _bn(h, g, b):
    mu = jnp.mean(h, axis=0)
    var = jnp.var(h, axis=0)
    return g * (h - mu) * jax.lax.rsqrt(var + 1e-5) + b


def _gin_layer(x, edge_index, Wa, g, b, Wb):
    # GINConv with eps=0 (train_eps=False): h = nn((1+eps)*x + sum_{j in N(i)} x_j)
    msg = jnp.take(x, edge_index[0], axis=0)
    agg = jax.ops.segment_sum(msg, edge_index[1], num_segments=x.shape[0])
    h = (x + agg) @ Wa
    h = jax.nn.relu(_bn(h, g, b))
    return jax.nn.relu(h @ Wb)


def reference(x, edge_index, batch, W1a, g1, b1, W1b, W2a, g2, b2, W2b, W3a, g3, b3, W3b, Wl1, Wl2, bl2):
    h = _gin_layer(x, edge_index, W1a, g1, b1, W1b)
    h = _gin_layer(h, edge_index, W2a, g2, b2, W2b)
    h = _gin_layer(h, edge_index, W3a, g3, b3, W3b)
    # global_mean_pool over graph ids
    sums = jax.ops.segment_sum(h, batch, num_segments=G)
    cnt = jax.ops.segment_sum(jnp.ones((h.shape[0], 1), dtype=h.dtype), batch, num_segments=G)
    pooled = sums / jnp.clip(cnt, 1.0, None)
    h = jax.nn.relu(pooled @ Wl1)
    # dropout is identity in eval mode
    logits = h @ Wl2 + bl2
    return jax.nn.log_softmax(logits, axis=-1)

if __name__ == "__main__":
    import jax
    _d = setup_inputs()
    print(jax.jit(kernel)(*tuple(_d.values())))

</pallas_src>

<mosaic_0001>
#map = affine_map<(d0, d1) -> (0, 0)>
#map1 = affine_map<(d0, d1) -> (0, 0, 0)>
module attributes {stable_mosaic.version = 14 : i64} {
  func.func @_sc_agg_body(%arg0: i32, %arg1: i32, %arg2: memref<10000x128xf32, #tpu.memory_space<hbm>>, %arg3: memref<32x79x128xi32, #tpu.memory_space<hbm>>, %arg4: memref<32x79x128xi32, #tpu.memory_space<hbm>>, %arg5: memref<2x10112x128xf32, #tpu.memory_space<hbm>>, %arg6: memref<79x128xi32, #tpu.memory_space<vmem>>, %arg7: memref<79x128xi32, #tpu.memory_space<vmem>>, %arg8: memref<128x128xf32, #tpu.memory_space<vmem>>, %arg9: memref<10112x128xf32, #tpu.memory_space<vmem_shared>>, %arg10: memref<!tpu.dma_semaphore, #tpu.memory_space<semaphore_mem>>) attributes {dimension_semantics = [#tpu.dimension_semantics<core_parallel>, #tpu.dimension_semantics<subcore_parallel>], iteration_bounds = array<i64: 2, 16>, scalar_prefetch = 0 : i64, scratch_operands = 5 : i64, tpu.core_type = #tpu.core_type<sc_vector_subcore>, window_params = [{transform_indices = #map}, {transform_indices = #map1}, {transform_indices = #map1}, {transform_indices = #map1}]} {
    %mul3A = arith.constant 16 : i32
    %mul3A_0 = arith.muli %arg0, %mul3A : i32
    %add3A = arith.addi %mul3A_0, %arg1 : i32
    "tpu.region"() ({
      %run_scoped3A = tpu.sem_alloc : memref<!tpu.dma_semaphore, #tpu.memory_space<semaphore_mem>>
      %dma_start3A = arith.constant 0 : i32
      %dma_start3A_24 = arith.constant 0 : i32
      %dma_start3A_25 = tpu.memref_slice %arg3[%add3A, %dma_start3A, %dma_start3A_24] : memref<32x79x128xi32, #tpu.memory_space<hbm>> -> memref<1x79x128xi32, #tpu.memory_space<hbm>>
      %dma_start3A_26 = tpu.memref_squeeze %dma_start3A_25 : memref<1x79x128xi32, #tpu.memory_space<hbm>> -> memref<79x128xi32, #tpu.memory_space<hbm>>
      %dma_start3A_27 = arith.constant 0 : i32
      %dma_start3A_28 = arith.constant 0 : i32
      %dma_start3A_29 = tpu.memref_slice %arg3[%add3A, %dma_start3A_27, %dma_start3A_28] : memref<32x79x128xi32, #tpu.memory_space<hbm>> -> memref<1x79x128xi32, #tpu.memory_space<hbm>>
      %dma_start3A_30 = tpu.memref_squeeze %dma_start3A_29 : memref<1x79x128xi32, #tpu.memory_space<hbm>> -> memref<79x128xi32, #tpu.memory_space<hbm>>
      tpu.enqueue_dma source(%dma_start3A_30 : memref<79x128xi32, #tpu.memory_space<hbm>>) target(%arg6 : memref<79x128xi32, #tpu.memory_space<vmem>>) target_semaphore(%run_scoped3A : memref<!tpu.dma_semaphore, #tpu.memory_space<semaphore_mem>>)
      %dma_wait3A = arith.constant 0 : i32
      %dma_wait3A_31 = arith.constant 0 : i32
      %dma_wait3A_32 = tpu.memref_slice %arg3[%add3A, %dma_wait3A, %dma_wait3A_31] : memref<32x79x128xi32, #tpu.memory_space<hbm>> -> memref<1x79x128xi32, #tpu.memory_space<hbm>>
      %dma_wait3A_33 = tpu.memref_squeeze %dma_wait3A_32 : memref<1x79x128xi32, #tpu.memory_space<hbm>> -> memref<79x128xi32, #tpu.memory_space<hbm>>
      %dma_wait3A_34 = arith.constant 0 : i32
      %dma_wait3A_35 = arith.constant 0 : i32
      %dma_wait3A_36 = tpu.memref_slice %arg3[%add3A, %dma_wait3A_34, %dma_wait3A_35] : memref<32x79x128xi32, #tpu.memory_space<hbm>> -> memref<1x79x128xi32, #tpu.memory_space<hbm>>
      %dma_wait3A_37 = tpu.memref_squeeze %dma_wait3A_36 : memref<1x79x128xi32, #tpu.memory_space<hbm>> -> memref<79x128xi32, #tpu.memory_space<hbm>>
      tpu.wait_dma2 semaphore(%run_scoped3A : memref<!tpu.dma_semaphore, #tpu.memory_space<semaphore_mem>>) src(%dma_wait3A_37 : memref<79x128xi32, #tpu.memory_space<hbm>>) dst(%arg6 : memref<79x128xi32, #tpu.memory_space<vmem>>)
      tpu.yield
    }) : () -> ()
    "tpu.region"() ({
      %run_scoped3A = tpu.sem_alloc : memref<!tpu.dma_semaphore, #tpu.memory_space<semaphore_mem>>
      %dma_start3A = arith.constant 0 : i32
      %dma_start3A_24 = arith.constant 0 : i32
      %dma_start3A_25 = tpu.memref_slice %arg4[%add3A, %dma_start3A, %dma_start3A_24] : memref<32x79x128xi32, #tpu.memory_space<hbm>> -> memref<1x79x128xi32, #tpu.memory_space<hbm>>
      %dma_start3A_26 = tpu.memref_squeeze %dma_start3A_25 : memref<1x79x128xi32, #tpu.memory_space<hbm>> -> memref<79x128xi32, #tpu.memory_space<hbm>>
      %dma_start3A_27 = arith.constant 0 : i32
      %dma_start3A_28 = arith.constant 0 : i32
      %dma_start3A_29 = tpu.memref_slice %arg4[%add3A, %dma_start3A_27, %dma_start3A_28] : memref<32x79x128xi32, #tpu.memory_space<hbm>> -> memref<1x79x128xi32, #tpu.memory_space<hbm>>
      %dma_start3A_30 = tpu.memref_squeeze %dma_start3A_29 : memref<1x79x128xi32, #tpu.memory_space<hbm>> -> memref<79x128xi32, #tpu.memory_space<hbm>>
      tpu.enqueue_dma source(%dma_start3A_30 : memref<79x128xi32, #tpu.memory_space<hbm>>) target(%arg7 : memref<79x128xi32, #tpu.memory_space<vmem>>) target_semaphore(%run_scoped3A : memref<!tpu.dma_semaphore, #tpu.memory_space<semaphore_mem>>)
      %dma_wait3A = arith.constant 0 : i32
      %dma_wait3A_31 = arith.constant 0 : i32
      %dma_wait3A_32 = tpu.memref_slice %arg4[%add3A, %dma_wait3A, %dma_wait3A_31] : memref<32x79x128xi32, #tpu.memory_space<hbm>> -> memref<1x79x128xi32, #tpu.memory_space<hbm>>
      %dma_wait3A_33 = tpu.memref_squeeze %dma_wait3A_32 : memref<1x79x128xi32, #tpu.memory_space<hbm>> -> memref<79x128xi32, #tpu.memory_space<hbm>>
      %dma_wait3A_34 = arith.constant 0 : i32
      %dma_wait3A_35 = arith.constant 0 : i32
      %dma_wait3A_36 = tpu.memref_slice %arg4[%add3A, %dma_wait3A_34, %dma_wait3A_35] : memref<32x79x128xi32, #tpu.memory_space<hbm>> -> memref<1x79x128xi32, #tpu.memory_space<hbm>>
      %dma_wait3A_37 = tpu.memref_squeeze %dma_wait3A_36 : memref<1x79x128xi32, #tpu.memory_space<hbm>> -> memref<79x128xi32, #tpu.memory_space<hbm>>
      tpu.wait_dma2 semaphore(%run_scoped3A : memref<!tpu.dma_semaphore, #tpu.memory_space<semaphore_mem>>) src(%dma_wait3A_37 : memref<79x128xi32, #tpu.memory_space<hbm>>) dst(%arg7 : memref<79x128xi32, #tpu.memory_space<vmem>>)
      tpu.yield
    }) : () -> ()
    %broadcast_in_dim3A = arith.constant 0.000000e+00 : f32
    %broadcast_in_dim3A_1 = vector.broadcast %broadcast_in_dim3A : f32 to vector<16xf32>
    %scan3A = arith.constant 0 : i32
    %scan3A_2 = arith.constant 0 : i32
    %scan3A_3 = arith.constant 128 : i32
    %scan3A_4 = arith.addi %scan3A_2, %scan3A_3 : i32
    %scan3A_5 = arith.constant 1 : i32
    scf.for %scan3A_24 = %scan3A_2 to %scan3A_4 step %scan3A_5  : i32 {
      %swap3A = arith.index_cast %scan3A_24 : i32 to index
      %swap3A_25 = arith.constant 0 : index
      %swap3A_26 = tpu.vector_load %arg8[%swap3A, %swap3A_25] {strides = array<i32>} : memref<128x128xf32, #tpu.memory_space<vmem>>, vector<1x16xf32>,
      %swap3A_27 = vector.shape_cast %swap3A_26 : vector<1x16xf32> to vector<16xf32>
      %swap3A_28 = vector.shape_cast %broadcast_in_dim3A_1 : vector<16xf32> to vector<1x16xf32>
      tpu.vector_store %arg8[%swap3A, %swap3A_25], %swap3A_28 {strides = array<i32>} : memref<128x128xf32, #tpu.memory_space<vmem>>, vector<1x16xf32>,
      %swap3A_29 = arith.index_cast %scan3A_24 : i32 to index
      %swap3A_30 = arith.constant 16 : index
      %swap3A_31 = tpu.vector_load %arg8[%swap3A_29, %swap3A_30] {strides = array<i32>} : memref<128x128xf32, #tpu.memory_space<vmem>>, vector<1x16xf32>,
      %swap3A_32 = vector.shape_cast %swap3A_31 : vector<1x16xf32> to vector<16xf32>
      %swap3A_33 = vector.shape_cast %broadcast_in_dim3A_1 : vector<16xf32> to vector<1x16xf32>
      tpu.vector_store %arg8[%swap3A_29, %swap3A_30], %swap3A_33 {strides = array<i32>} : memref<128x128xf32, #tpu.memory_space<vmem>>, vector<1x16xf32>,
      %swap3A_34 = arith.index_cast %scan3A_24 : i32 to index
      %swap3A_35 = arith.constant 32 : index
      %swap3A_36 = tpu.vector_load %arg8[%swap3A_34, %swap3A_35] {strides = array<i32>} : memref<128x128xf32, #tpu.memory_space<vmem>>, vector<1x16xf32>,
      %swap3A_37 = vector.shape_cast %swap3A_36 : vector<1x16xf32> to vector<16xf32>
      %swap3A_38 = vector.shape_cast %broadcast_in_dim3A_1 : vector<16xf32> to vector<1x16xf32>
      tpu.vector_store %arg8[%swap3A_34, %swap3A_35], %swap3A_38 {strides = array<i32>} : memref<128x128xf32, #tpu.memory_space<vmem>>, vector<1x16xf32>,
      %swap3A_39 = arith.index_cast %scan3A_24 : i32 to index
      %swap3A_40 = arith.constant 48 : index
      %swap3A_41 = tpu.vector_load %arg8[%swap3A_39, %swap3A_40] {strides = array<i32>} : memref<128x128xf32, #tpu.memory_space<vmem>>, vector<1x16xf32>,
      %swap3A_42 = vector.shape_cast %swap3A_41 : vector<1x16xf32> to vector<16xf32>
      %swap3A_43 = vector.shape_cast %broadcast_in_dim3A_1 : vector<16xf32> to vector<1x16xf32>
      tpu.vector_store %arg8[%swap3A_39, %swap3A_40], %swap3A_43 {strides = array<i32>} : memref<128x128xf32, #tpu.memory_space<vmem>>, vector<1x16xf32>,
      %swap3A_44 = arith.index_cast %scan3A_24 : i32 to index
      %swap3A_45 = arith.constant 64 : index
      %swap3A_46 = tpu.vector_load %arg8[%swap3A_44, %swap3A_45] {strides = array<i32>} : memref<128x128xf32, #tpu.memory_space<vmem>>, vector<1x16xf32>,
      %swap3A_47 = vector.shape_cast %swap3A_46 : vector<1x16xf32> to vector<16xf32>
      %swap3A_48 = vector.shape_cast %broadcast_in_dim3A_1 : vector<16xf32> to vector<1x16xf32>
      tpu.vector_store %arg8[%swap3A_44, %swap3A_45], %swap3A_48 {strides = array<i32>} : memref<128x128xf32, #tpu.memory_space<vmem>>, vector<1x16xf32>,
      %swap3A_49 = arith.index_cast %scan3A_24 : i32 to index
      %swap3A_50 = arith.constant 80 : index
      %swap3A_51 = tpu.vector_load %arg8[%swap3A_49, %swap3A_50] {strides = array<i32>} : memref<128x128xf32, #tpu.memory_space<vmem>>, vector<1x16xf32>,
      %swap3A_52 = vector.shape_cast %swap3A_51 : vector<1x16xf32> to vector<16xf32>
      %swap3A_53 = vector.shape_cast %broadcast_in_dim3A_1 : vector<16xf32> to vector<1x16xf32>
      tpu.vector_store %arg8[%swap3A_49, %swap3A_50], %swap3A_53 {strides = array<i32>} : memref<128x128xf32, #tpu.memory_space<vmem>>, vector<1x16xf32>,
      %swap3A_54 = arith.index_cast %scan3A_24 : i32 to index
      %swap3A_55 = arith.constant 96 : index
      %swap3A_56 = tpu.vector_load %arg8[%swap3A_54, %swap3A_55] {strides = array<i32>} : memref<128x128xf32, #tpu.memory_space<vmem>>, vector<1x16xf32>,
      %swap3A_57 = vector.shape_cast %swap3A_56 : vector<1x16xf32> to vector<16xf32>
      %swap3A_58 = vector.shape_cast %broadcast_in_dim3A_1 : vector<16xf32> to vector<1x16xf32>
      tpu.vector_store %arg8[%swap3A_54, %swap3A_55], %swap3A_58 {strides = array<i32>} : memref<128x128xf32, #tpu.memory_space<vmem>>, vector<1x16xf32>,
      %swap3A_59 = arith.index_cast %scan3A_24 : i32 to index
      %swap3A_60 = arith.constant 112 : index
      %swap3A_61 = tpu.vector_load %arg8[%swap3A_59, %swap3A_60] {strides = array<i32>} : memref<128x128xf32, #tpu.memory_space<vmem>>, vector<1x16xf32>,
      %swap3A_62 = vector.shape_cast %swap3A_61 : vector<1x16xf32> to vector<16xf32>
      %swap3A_63 = vector.shape_cast %broadcast_in_dim3A_1 : vector<16xf32> to vector<1x16xf32>
      tpu.vector_store %arg8[%swap3A_59, %swap3A_60], %swap3A_63 {strides = array<i32>} : memref<128x128xf32, #tpu.memory_space<vmem>>, vector<1x16xf32>,
    }
    %scan3A_6 = arith.constant 128 : i32
    %scan3A_7 = arith.constant 0 : i32
    %scan3A_8 = arith.constant 0 : i32
    %scan3A_9 = arith.constant 79 : i32
    %scan3A_10 = arith.addi %scan3A_8, %scan3A_9 : i32
    %scan3A_11 = arith.constant 1 : i32
    scf.for %scan3A_24 = %scan3A_8 to %scan3A_10 step %scan3A_11  : i32 {
      %rem3A = arith.constant 16 : i32
      %rem3A_25 = arith.remsi %scan3A_24, %rem3A : i32
      %eq3A = arith.cmpi eq, %rem3A_25, %arg1 : i32
      %convert_element_type3A = arith.extui %eq3A : i1 to i32
      %cond3A = arith.constant 0 : i32
      %cond3A_26 = arith.cmpi ne, %convert_element_type3A, %cond3A : i32
      scf.if %cond3A_26 {
        %mul3A_27 = arith.constant 128 : i32
        %mul3A_28 = arith.muli %scan3A_24, %mul3A_27 : i32
        "tpu.region"() ({
          %run_scoped3A = tpu.sem_alloc : memref<!tpu.dma_semaphore, #tpu.memory_space<semaphore_mem>>
          %dma_start3A = arith.constant 0 : i32
          %dma_start3A_29 = tpu.memref_slice %arg9[%mul3A_28, %dma_start3A] : memref<10112x128xf32, #tpu.memory_space<vmem_shared>> -> memref<128x128xf32, #tpu.memory_space<vmem_shared>>
          %dma_start3A_30 = arith.constant 0 : i32
          %dma_start3A_31 = tpu.memref_slice %arg9[%mul3A_28, %dma_start3A_30] : memref<10112x128xf32, #tpu.memory_space<vmem_shared>> -> memref<128x128xf32, #tpu.memory_space<vmem_shared>>
          tpu.enqueue_dma source(%arg8 : memref<128x128xf32, #tpu.memory_space<vmem>>) target(%dma_start3A_31 : memref<128x128xf32, #tpu.memory_space<vmem_shared>>) target_semaphore(%run_scoped3A : memref<!tpu.dma_semaphore, #tpu.memory_space<semaphore_mem>>)
          %dma_wait3A = arith.constant 0 : i32
          %dma_wait3A_32 = tpu.memref_slice %arg9[%mul3A_28, %dma_wait3A] : memref<10112x128xf32, #tpu.memory_space<vmem_shared>> -> memref<128x128xf32, #tpu.memory_space<vmem_shared>>
          %dma_wait3A_33 = arith.constant 0 : i32
          %dma_wait3A_34 = tpu.memref_slice %arg9[%mul3A_28, %dma_wait3A_33] : memref<10112x128xf32, #tpu.memory_space<vmem_shared>> -> memref<128x128xf32, #tpu.memory_space<vmem_shared>>
          tpu.wait_dma2 semaphore(%run_scoped3A : memref<!tpu.dma_semaphore, #tpu.memory_space<semaphore_mem>>) src(%arg8 : memref<128x128xf32, #tpu.memory_space<vmem>>) dst(%dma_wait3A_34 : memref<128x128xf32, #tpu.memory_space<vmem_shared>>)
          tpu.yield
        }) : () -> ()
      } else {
      }
    }
    %scan3A_12 = arith.constant 79 : i32
    %barrier3A = arith.constant 0 : index
    tpu.barrier barrier_id(%barrier3A)
    %scan3A_13 = arith.constant 0 : i32
    %scan3A_14 = arith.constant 0 : i32
    %scan3A_15 = arith.constant 79 : i32
    %scan3A_16 = arith.addi %scan3A_14, %scan3A_15 : i32
    %scan3A_17 = arith.constant 1 : i32
    scf.for %scan3A_24 = %scan3A_14 to %scan3A_16 step %scan3A_17  : i32 {
      %dma_start3A = arith.constant 0 : i32
      %dma_start3A_25 = tpu.memref_slice %arg6[%scan3A_24, %dma_start3A] : memref<79x128xi32, #tpu.memory_space<vmem>> -> memref<1x128xi32, #tpu.memory_space<vmem>>
      %dma_start3A_26 = tpu.memref_squeeze %dma_start3A_25 : memref<1x128xi32, #tpu.memory_space<vmem>> -> memref<128xi32, #tpu.memory_space<vmem>>
      %dma_start3A_27 = arith.constant 0 : i32
      %dma_start3A_28 = arith.constant 0 : i32
      %dma_start3A_29 = tpu.memref_slice %arg2[%dma_start3A_27, %dma_start3A_28] : memref<10000x128xf32, #tpu.memory_space<hbm>> -> memref<10000x128xf32, #tpu.memory_space<hbm>>
      tpu.enqueue_indirect_dma source(%dma_start3A_29 : memref<10000x128xf32, #tpu.memory_space<hbm>>) target(%arg8 : memref<128x128xf32, #tpu.memory_space<vmem>>) offsets(%dma_start3A_26 : memref<128xi32, #tpu.memory_space<vmem>>) semaphore(%arg10 : memref<!tpu.dma_semaphore, #tpu.memory_space<semaphore_mem>>)
      %dma_wait3A = arith.constant 0 : i32
      %dma_wait3A_30 = tpu.memref_slice %arg6[%scan3A_24, %dma_wait3A] : memref<79x128xi32, #tpu.memory_space<vmem>> -> memref<1x128xi32, #tpu.memory_space<vmem>>
      %dma_wait3A_31 = tpu.memref_squeeze %dma_wait3A_30 : memref<1x128xi32, #tpu.memory_space<vmem>> -> memref<128xi32, #tpu.memory_space<vmem>>
      %dma_wait3A_32 = arith.constant 0 : i32
      %dma_wait3A_33 = arith.constant 0 : i32
      %dma_wait3A_34 = tpu.memref_slice %arg2[%dma_wait3A_32, %dma_wait3A_33] : memref<10000x128xf32, #tpu.memory_space<hbm>> -> memref<10000x128xf32, #tpu.memory_space<hbm>>
      tpu.wait_indirect_dma semaphore(%arg10 : memref<!tpu.dma_semaphore, #tpu.memory_space<semaphore_mem>>) src(%dma_wait3A_34 : memref<10000x128xf32, #tpu.memory_space<hbm>>) dst(%arg8 : memref<128x128xf32, #tpu.memory_space<vmem>>)
      "tpu.region"() ({
        %run_scoped3A = tpu.sem_alloc : memref<!tpu.dma_semaphore, #tpu.memory_space<semaphore_mem>>
        %dma_start3A_35 = arith.constant 0 : i32
        %dma_start3A_36 = tpu.memref_slice %arg7[%scan3A_24, %dma_start3A_35] : memref<79x128xi32, #tpu.memory_space<vmem>> -> memref<1x128xi32, #tpu.memory_space<vmem>>
        %dma_start3A_37 = tpu.memref_squeeze %dma_start3A_36 : memref<1x128xi32, #tpu.memory_space<vmem>> -> memref<128xi32, #tpu.memory_space<vmem>>
        %dma_start3A_38 = arith.constant 0 : i32
        %dma_start3A_39 = arith.constant 0 : i32
        %dma_start3A_40 = tpu.memref_slice %arg9[%dma_start3A_38, %dma_start3A_39] : memref<10112x128xf32, #tpu.memory_space<vmem_shared>> -> memref<10112x128xf32, #tpu.memory_space<vmem_shared>>
        tpu.enqueue_indirect_dma source(%arg8 : memref<128x128xf32, #tpu.memory_space<vmem>>) target(%dma_start3A_40 : memref<10112x128xf32, #tpu.memory_space<vmem_shared>>) offsets(%dma_start3A_37 : memref<128xi32, #tpu.memory_space<vmem>>) semaphore(%run_scoped3A : memref<!tpu.dma_semaphore, #tpu.memory_space<semaphore_mem>>) {add = true}
        %dma_wait3A_41 = arith.constant 0 : i32
        %dma_wait3A_42 = tpu.memref_slice %arg7[%scan3A_24, %dma_wait3A_41] : memref<79x128xi32, #tpu.memory_space<vmem>> -> memref<1x128xi32, #tpu.memory_space<vmem>>
        %dma_wait3A_43 = tpu.memref_squeeze %dma_wait3A_42 : memref<1x128xi32, #tpu.memory_space<vmem>> -> memref<128xi32, #tpu.memory_space<vmem>>
        %dma_wait3A_44 = arith.constant 0 : i32
        %dma_wait3A_45 = arith.constant 0 : i32
        %dma_wait3A_46 = tpu.memref_slice %arg9[%dma_wait3A_44, %dma_wait3A_45] : memref<10112x128xf32, #tpu.memory_space<vmem_shared>> -> memref<10112x128xf32, #tpu.memory_space<vmem_shared>>
        tpu.wait_indirect_dma semaphore(%run_scoped3A : memref<!tpu.dma_semaphore, #tpu.memory_space<semaphore_mem>>) src(%arg8 : memref<128x128xf32, #tpu.memory_space<vmem>>) dst(%dma_wait3A_46 : memref<10112x128xf32, #tpu.memory_space<vmem_shared>>)
        tpu.yield
      }) : () -> ()
    }
    %scan3A_18 = arith.constant 79 : i32
    %barrier3A_19 = arith.constant 0 : index
    tpu.barrier barrier_id(%barrier3A_19)
    %mul3A_20 = arith.constant 632 : i32
    %mul3A_21 = arith.muli %arg1, %mul3A_20 : i32
    %mul3A_22 = arith.constant 632 : i32
    %mul3A_23 = arith.muli %arg1, %mul3A_22 : i32
    "tpu.region"() ({
      %run_scoped3A = tpu.sem_alloc : memref<!tpu.dma_semaphore, #tpu.memory_space<semaphore_mem>>
      %dma_start3A = arith.constant 0 : i32
      %dma_start3A_24 = tpu.memref_slice %arg5[%arg0, %mul3A_23, %dma_start3A] : memref<2x10112x128xf32, #tpu.memory_space<hbm>> -> memref<1x632x128xf32, #tpu.memory_space<hbm>>
      %dma_start3A_25 = tpu.memref_squeeze %dma_start3A_24 : memref<1x632x128xf32, #tpu.memory_space<hbm>> -> memref<632x128xf32, #tpu.memory_space<hbm>>
      %dma_start3A_26 = arith.constant 0 : i32
      %dma_start3A_27 = tpu.memref_slice %arg9[%mul3A_21, %dma_start3A_26] : memref<10112x128xf32, #tpu.memory_space<vmem_shared>> -> memref<632x128xf32, #tpu.memory_space<vmem_shared>>
      tpu.enqueue_dma source(%dma_start3A_27 : memref<632x128xf32, #tpu.memory_space<vmem_shared>>) target(%dma_start3A_25 : memref<632x128xf32, #tpu.memory_space<hbm>>) target_semaphore(%run_scoped3A : memref<!tpu.dma_semaphore, #tpu.memory_space<semaphore_mem>>)
      %dma_wait3A = arith.constant 0 : i32
      %dma_wait3A_28 = tpu.memref_slice %arg5[%arg0, %mul3A_23, %dma_wait3A] : memref<2x10112x128xf32, #tpu.memory_space<hbm>> -> memref<1x632x128xf32, #tpu.memory_space<hbm>>
      %dma_wait3A_29 = tpu.memref_squeeze %dma_wait3A_28 : memref<1x632x128xf32, #tpu.memory_space<hbm>> -> memref<632x128xf32, #tpu.memory_space<hbm>>
      %dma_wait3A_30 = arith.constant 0 : i32
      %dma_wait3A_31 = tpu.memref_slice %arg9[%mul3A_21, %dma_wait3A_30] : memref<10112x128xf32, #tpu.memory_space<vmem_shared>> -> memref<632x128xf32, #tpu.memory_space<vmem_shared>>
      tpu.wait_dma2 semaphore(%run_scoped3A : memref<!tpu.dma_semaphore, #tpu.memory_space<semaphore_mem>>) src(%dma_wait3A_31 : memref<632x128xf32, #tpu.memory_space<vmem_shared>>) dst(%dma_wait3A_29 : memref<632x128xf32, #tpu.memory_space<hbm>>)
      tpu.yield
    }) : () -> ()
    return
  }
}

#map = affine_map<(d0, d1) -> (0, 0)>
#map1 = affine_map<(d0, d1) -> (0, 0, 0)>
module attributes {stable_mosaic.version = 14 : i64} {
  func.func @_sc_agg_body(%arg0: i32, %arg1: i32, %arg2: memref<10000x128xf32, #tpu.memory_space<hbm>>, %arg3: memref<32x79x128xi32, #tpu.memory_space<hbm>>, %arg4: memref<32x79x128xi32, #tpu.memory_space<hbm>>, %arg5: memref<2x10112x128xf32, #tpu.memory_space<hbm>>, %arg6: memref<79x128xi32, #tpu.memory_space<vmem>>, %arg7: memref<79x128xi32, #tpu.memory_space<vmem>>, %arg8: memref<128x128xf32, #tpu.memory_space<vmem>>, %arg9: memref<10112x128xf32, #tpu.memory_space<vmem_shared>>, %arg10: memref<!tpu.dma_semaphore, #tpu.memory_space<semaphore_mem>>) attributes {dimension_semantics = [#tpu.dimension_semantics<core_parallel>, #tpu.dimension_semantics<subcore_parallel>], iteration_bounds = array<i64: 2, 16>, scalar_prefetch = 0 : i64, scratch_operands = 5 : i64, tpu.core_type = #tpu.core_type<sc_vector_subcore>, window_params = [{transform_indices = #map}, {transform_indices = #map1}, {transform_indices = #map1}, {transform_indices = #map1}]} {
    %mul3A = arith.constant 16 : i32
    %mul3A_0 = arith.muli %arg0, %mul3A : i32
    %add3A = arith.addi %mul3A_0, %arg1 : i32
    "tpu.region"() ({
      %run_scoped3A = tpu.sem_alloc : memref<!tpu.dma_semaphore, #tpu.memory_space<semaphore_mem>>
      %dma_start3A = arith.constant 0 : i32
      %dma_start3A_24 = arith.constant 0 : i32
      %dma_start3A_25 = tpu.memref_slice %arg3[%add3A, %dma_start3A, %dma_start3A_24] : memref<32x79x128xi32, #tpu.memory_space<hbm>> -> memref<1x79x128xi32, #tpu.memory_space<hbm>>
      %dma_start3A_26 = tpu.memref_squeeze %dma_start3A_25 : memref<1x79x128xi32, #tpu.memory_space<hbm>> -> memref<79x128xi32, #tpu.memory_space<hbm>>
      %dma_start3A_27 = arith.constant 0 : i32
      %dma_start3A_28 = arith.constant 0 : i32
      %dma_start3A_29 = tpu.memref_slice %arg3[%add3A, %dma_start3A_27, %dma_start3A_28] : memref<32x79x128xi32, #tpu.memory_space<hbm>> -> memref<1x79x128xi32, #tpu.memory_space<hbm>>
      %dma_start3A_30 = tpu.memref_squeeze %dma_start3A_29 : memref<1x79x128xi32, #tpu.memory_space<hbm>> -> memref<79x128xi32, #tpu.memory_space<hbm>>
      tpu.enqueue_dma source(%dma_start3A_30 : memref<79x128xi32, #tpu.memory_space<hbm>>) target(%arg6 : memref<79x128xi32, #tpu.memory_space<vmem>>) target_semaphore(%run_scoped3A : memref<!tpu.dma_semaphore, #tpu.memory_space<semaphore_mem>>)
      %dma_wait3A = arith.constant 0 : i32
      %dma_wait3A_31 = arith.constant 0 : i32
      %dma_wait3A_32 = tpu.memref_slice %arg3[%add3A, %dma_wait3A, %dma_wait3A_31] : memref<32x79x128xi32, #tpu.memory_space<hbm>> -> memref<1x79x128xi32, #tpu.memory_space<hbm>>
      %dma_wait3A_33 = tpu.memref_squeeze %dma_wait3A_32 : memref<1x79x128xi32, #tpu.memory_space<hbm>> -> memref<79x128xi32, #tpu.memory_space<hbm>>
      %dma_wait3A_34 = arith.constant 0 : i32
      %dma_wait3A_35 = arith.constant 0 : i32
      %dma_wait3A_36 = tpu.memref_slice %arg3[%add3A, %dma_wait3A_34, %dma_wait3A_35] : memref<32x79x128xi32, #tpu.memory_space<hbm>> -> memref<1x79x128xi32, #tpu.memory_space<hbm>>
      %dma_wait3A_37 = tpu.memref_squeeze %dma_wait3A_36 : memref<1x79x128xi32, #tpu.memory_space<hbm>> -> memref<79x128xi32, #tpu.memory_space<hbm>>
      tpu.wait_dma2 semaphore(%run_scoped3A : memref<!tpu.dma_semaphore, #tpu.memory_space<semaphore_mem>>) src(%dma_wait3A_37 : memref<79x128xi32, #tpu.memory_space<hbm>>) dst(%arg6 : memref<79x128xi32, #tpu.memory_space<vmem>>)
      tpu.yield
    }) : () -> ()
    "tpu.region"() ({
      %run_scoped3A = tpu.sem_alloc : memref<!tpu.dma_semaphore, #tpu.memory_space<semaphore_mem>>
      %dma_start3A = arith.constant 0 : i32
      %dma_start3A_24 = arith.constant 0 : i32
      %dma_start3A_25 = tpu.memref_slice %arg4[%add3A, %dma_start3A, %dma_start3A_24] : memref<32x79x128xi32, #tpu.memory_space<hbm>> -> memref<1x79x128xi32, #tpu.memory_space<hbm>>
      %dma_start3A_26 = tpu.memref_squeeze %dma_start3A_25 : memref<1x79x128xi32, #tpu.memory_space<hbm>> -> memref<79x128xi32, #tpu.memory_space<hbm>>
      %dma_start3A_27 = arith.constant 0 : i32
      %dma_start3A_28 = arith.constant 0 : i32
      %dma_start3A_29 = tpu.memref_slice %arg4[%add3A, %dma_start3A_27, %dma_start3A_28] : memref<32x79x128xi32, #tpu.memory_space<hbm>> -> memref<1x79x128xi32, #tpu.memory_space<hbm>>
      %dma_start3A_30 = tpu.memref_squeeze %dma_start3A_29 : memref<1x79x128xi32, #tpu.memory_space<hbm>> -> memref<79x128xi32, #tpu.memory_space<hbm>>
      tpu.enqueue_dma source(%dma_start3A_30 : memref<79x128xi32, #tpu.memory_space<hbm>>) target(%arg7 : memref<79x128xi32, #tpu.memory_space<vmem>>) target_semaphore(%run_scoped3A : memref<!tpu.dma_semaphore, #tpu.memory_space<semaphore_mem>>)
      %dma_wait3A = arith.constant 0 : i32
      %dma_wait3A_31 = arith.constant 0 : i32
      %dma_wait3A_32 = tpu.memref_slice %arg4[%add3A, %dma_wait3A, %dma_wait3A_31] : memref<32x79x128xi32, #tpu.memory_space<hbm>> -> memref<1x79x128xi32, #tpu.memory_space<hbm>>
      %dma_wait3A_33 = tpu.memref_squeeze %dma_wait3A_32 : memref<1x79x128xi32, #tpu.memory_space<hbm>> -> memref<79x128xi32, #tpu.memory_space<hbm>>
      %dma_wait3A_34 = arith.constant 0 : i32
      %dma_wait3A_35 = arith.constant 0 : i32
      %dma_wait3A_36 = tpu.memref_slice %arg4[%add3A, %dma_wait3A_34, %dma_wait3A_35] : memref<32x79x128xi32, #tpu.memory_space<hbm>> -> memref<1x79x128xi32, #tpu.memory_space<hbm>>
      %dma_wait3A_37 = tpu.memref_squeeze %dma_wait3A_36 : memref<1x79x128xi32, #tpu.memory_space<hbm>> -> memref<79x128xi32, #tpu.memory_space<hbm>>
      tpu.wait_dma2 semaphore(%run_scoped3A : memref<!tpu.dma_semaphore, #tpu.memory_space<semaphore_mem>>) src(%dma_wait3A_37 : memref<79x128xi32, #tpu.memory_space<hbm>>) dst(%arg7 : memref<79x128xi32, #tpu.memory_space<vmem>>)
      tpu.yield
    }) : () -> ()
    %broadcast_in_dim3A = arith.constant 0.000000e+00 : f32
    %broadcast_in_dim3A_1 = vector.broadcast %broadcast_in_dim3A : f32 to vector<16xf32>
    %scan3A = arith.constant 0 : i32
    %scan3A_2 = arith.constant 0 : i32
    %scan3A_3 = arith.constant 128 : i32
    %scan3A_4 = arith.addi %scan3A_2, %scan3A_3 : i32
    %scan3A_5 = arith.constant 1 : i32
    scf.for %scan3A_24 = %scan3A_2 to %scan3A_4 step %scan3A_5  : i32 {
      %swap3A = arith.index_cast %scan3A_24 : i32 to index
      %swap3A_25 = arith.constant 0 : index
      %swap3A_26 = tpu.vector_load %arg8[%swap3A, %swap3A_25] {strides = array<i32>} : memref<128x128xf32, #tpu.memory_space<vmem>>, vector<1x16xf32>,
      %swap3A_27 = vector.shape_cast %swap3A_26 : vector<1x16xf32> to vector<16xf32>
      %swap3A_28 = vector.shape_cast %broadcast_in_dim3A_1 : vector<16xf32> to vector<1x16xf32>
      tpu.vector_store %arg8[%swap3A, %swap3A_25], %swap3A_28 {strides = array<i32>} : memref<128x128xf32, #tpu.memory_space<vmem>>, vector<1x16xf32>,
      %swap3A_29 = arith.index_cast %scan3A_24 : i32 to index
      %swap3A_30 = arith.constant 16 : index
      %swap3A_31 = tpu.vector_load %arg8[%swap3A_29, %swap3A_30] {strides = array<i32>} : memref<128x128xf32, #tpu.memory_space<vmem>>, vector<1x16xf32>,
      %swap3A_32 = vector.shape_cast %swap3A_31 : vector<1x16xf32> to vector<16xf32>
      %swap3A_33 = vector.shape_cast %broadcast_in_dim3A_1 : vector<16xf32> to vector<1x16xf32>
      tpu.vector_store %arg8[%swap3A_29, %swap3A_30], %swap3A_33 {strides = array<i32>} : memref<128x128xf32, #tpu.memory_space<vmem>>, vector<1x16xf32>,
      %swap3A_34 = arith.index_cast %scan3A_24 : i32 to index
      %swap3A_35 = arith.constant 32 : index
      %swap3A_36 = tpu.vector_load %arg8[%swap3A_34, %swap3A_35] {strides = array<i32>} : memref<128x128xf32, #tpu.memory_space<vmem>>, vector<1x16xf32>,
      %swap3A_37 = vector.shape_cast %swap3A_36 : vector<1x16xf32> to vector<16xf32>
      %swap3A_38 = vector.shape_cast %broadcast_in_dim3A_1 : vector<16xf32> to vector<1x16xf32>
      tpu.vector_store %arg8[%swap3A_34, %swap3A_35], %swap3A_38 {strides = array<i32>} : memref<128x128xf32, #tpu.memory_space<vmem>>, vector<1x16xf32>,
      %swap3A_39 = arith.index_cast %scan3A_24 : i32 to index
      %swap3A_40 = arith.constant 48 : index
      %swap3A_41 = tpu.vector_load %arg8[%swap3A_39, %swap3A_40] {strides = array<i32>} : memref<128x128xf32, #tpu.memory_space<vmem>>, vector<1x16xf32>,
      %swap3A_42 = vector.shape_cast %swap3A_41 : vector<1x16xf32> to vector<16xf32>
      %swap3A_43 = vector.shape_cast %broadcast_in_dim3A_1 : vector<16xf32> to vector<1x16xf32>
      tpu.vector_store %arg8[%swap3A_39, %swap3A_40], %swap3A_43 {strides = array<i32>} : memref<128x128xf32, #tpu.memory_space<vmem>>, vector<1x16xf32>,
      %swap3A_44 = arith.index_cast %scan3A_24 : i32 to index
      %swap3A_45 = arith.constant 64 : index
      %swap3A_46 = tpu.vector_load %arg8[%swap3A_44, %swap3A_45] {strides = array<i32>} : memref<128x128xf32, #tpu.memory_space<vmem>>, vector<1x16xf32>,
      %swap3A_47 = vector.shape_cast %swap3A_46 : vector<1x16xf32> to vector<16xf32>
      %swap3A_48 = vector.shape_cast %broadcast_in_dim3A_1 : vector<16xf32> to vector<1x16xf32>
      tpu.vector_store %arg8[%swap3A_44, %swap3A_45], %swap3A_48 {strides = array<i32>} : memref<128x128xf32, #tpu.memory_space<vmem>>, vector<1x16xf32>,
      %swap3A_49 = arith.index_cast %scan3A_24 : i32 to index
      %swap3A_50 = arith.constant 80 : index
      %swap3A_51 = tpu.vector_load %arg8[%swap3A_49, %swap3A_50] {strides = array<i32>} : memref<128x128xf32, #tpu.memory_space<vmem>>, vector<1x16xf32>,
      %swap3A_52 = vector.shape_cast %swap3A_51 : vector<1x16xf32> to vector<16xf32>
      %swap3A_53 = vector.shape_cast %broadcast_in_dim3A_1 : vector<16xf32> to vector<1x16xf32>
      tpu.vector_store %arg8[%swap3A_49, %swap3A_50], %swap3A_53 {strides = array<i32>} : memref<128x128xf32, #tpu.memory_space<vmem>>, vector<1x16xf32>,
      %swap3A_54 = arith.index_cast %scan3A_24 : i32 to index
      %swap3A_55 = arith.constant 96 : index
      %swap3A_56 = tpu.vector_load %arg8[%swap3A_54, %swap3A_55] {strides = array<i32>} : memref<128x128xf32, #tpu.memory_space<vmem>>, vector<1x16xf32>,
      %swap3A_57 = vector.shape_cast %swap3A_56 : vector<1x16xf32> to vector<16xf32>
      %swap3A_58 = vector.shape_cast %broadcast_in_dim3A_1 : vector<16xf32> to vector<1x16xf32>
      tpu.vector_store %arg8[%swap3A_54, %swap3A_55], %swap3A_58 {strides = array<i32>} : memref<128x128xf32, #tpu.memory_space<vmem>>, vector<1x16xf32>,
      %swap3A_59 = arith.index_cast %scan3A_24 : i32 to index
      %swap3A_60 = arith.constant 112 : index
      %swap3A_61 = tpu.vector_load %arg8[%swap3A_59, %swap3A_60] {strides = array<i32>} : memref<128x128xf32, #tpu.memory_space<vmem>>, vector<1x16xf32>,
      %swap3A_62 = vector.shape_cast %swap3A_61 : vector<1x16xf32> to vector<16xf32>
      %swap3A_63 = vector.shape_cast %broadcast_in_dim3A_1 : vector<16xf32> to vector<1x16xf32>
      tpu.vector_store %arg8[%swap3A_59, %swap3A_60], %swap3A_63 {strides = array<i32>} : memref<128x128xf32, #tpu.memory_space<vmem>>, vector<1x16xf32>,
    }
    %scan3A_6 = arith.constant 128 : i32
    %scan3A_7 = arith.constant 0 : i32
    %scan3A_8 = arith.constant 0 : i32
    %scan3A_9 = arith.constant 79 : i32
    %scan3A_10 = arith.addi %scan3A_8, %scan3A_9 : i32
    %scan3A_11 = arith.constant 1 : i32
    scf.for %scan3A_24 = %scan3A_8 to %scan3A_10 step %scan3A_11  : i32 {
      %rem3A = arith.constant 16 : i32
      %rem3A_25 = arith.remsi %scan3A_24, %rem3A : i32
      %eq3A = arith.cmpi eq, %rem3A_25, %arg1 : i32
      %convert_element_type3A = arith.extui %eq3A : i1 to i32
      %cond3A = arith.constant 0 : i32
      %cond3A_26 = arith.cmpi ne, %convert_element_type3A, %cond3A : i32
      scf.if %cond3A_26 {
        %mul3A_27 = arith.constant 128 : i32
        %mul3A_28 = arith.muli %scan3A_24, %mul3A_27 : i32
        "tpu.region"() ({
          %run_scoped3A = tpu.sem_alloc : memref<!tpu.dma_semaphore, #tpu.memory_space<semaphore_mem>>
          %dma_start3A = arith.constant 0 : i32
          %dma_start3A_29 = tpu.memref_slice %arg9[%mul3A_28, %dma_start3A] : memref<10112x128xf32, #tpu.memory_space<vmem_shared>> -> memref<128x128xf32, #tpu.memory_space<vmem_shared>>
          %dma_start3A_30 = arith.constant 0 : i32
          %dma_start3A_31 = tpu.memref_slice %arg9[%mul3A_28, %dma_start3A_30] : memref<10112x128xf32, #tpu.memory_space<vmem_shared>> -> memref<128x128xf32, #tpu.memory_space<vmem_shared>>
          tpu.enqueue_dma source(%arg8 : memref<128x128xf32, #tpu.memory_space<vmem>>) target(%dma_start3A_31 : memref<128x128xf32, #tpu.memory_space<vmem_shared>>) target_semaphore(%run_scoped3A : memref<!tpu.dma_semaphore, #tpu.memory_space<semaphore_mem>>)
          %dma_wait3A = arith.constant 0 : i32
          %dma_wait3A_32 = tpu.memref_slice %arg9[%mul3A_28, %dma_wait3A] : memref<10112x128xf32, #tpu.memory_space<vmem_shared>> -> memref<128x128xf32, #tpu.memory_space<vmem_shared>>
          %dma_wait3A_33 = arith.constant 0 : i32
          %dma_wait3A_34 = tpu.memref_slice %arg9[%mul3A_28, %dma_wait3A_33] : memref<10112x128xf32, #tpu.memory_space<vmem_shared>> -> memref<128x128xf32, #tpu.memory_space<vmem_shared>>
          tpu.wait_dma2 semaphore(%run_scoped3A : memref<!tpu.dma_semaphore, #tpu.memory_space<semaphore_mem>>) src(%arg8 : memref<128x128xf32, #tpu.memory_space<vmem>>) dst(%dma_wait3A_34 : memref<128x128xf32, #tpu.memory_space<vmem_shared>>)
          tpu.yield
        }) : () -> ()
      } else {
      }
    }
    %scan3A_12 = arith.constant 79 : i32
    %barrier3A = arith.constant 0 : index
    tpu.barrier barrier_id(%barrier3A)
    %scan3A_13 = arith.constant 0 : i32
    %scan3A_14 = arith.constant 0 : i32
    %scan3A_15 = arith.constant 79 : i32
    %scan3A_16 = arith.addi %scan3A_14, %scan3A_15 : i32
    %scan3A_17 = arith.constant 1 : i32
    scf.for %scan3A_24 = %scan3A_14 to %scan3A_16 step %scan3A_17  : i32 {
      %dma_start3A = arith.constant 0 : i32
      %dma_start3A_25 = tpu.memref_slice %arg6[%scan3A_24, %dma_start3A] : memref<79x128xi32, #tpu.memory_space<vmem>> -> memref<1x128xi32, #tpu.memory_space<vmem>>
      %dma_start3A_26 = tpu.memref_squeeze %dma_start3A_25 : memref<1x128xi32, #tpu.memory_space<vmem>> -> memref<128xi32, #tpu.memory_space<vmem>>
      %dma_start3A_27 = arith.constant 0 : i32
      %dma_start3A_28 = arith.constant 0 : i32
      %dma_start3A_29 = tpu.memref_slice %arg2[%dma_start3A_27, %dma_start3A_28] : memref<10000x128xf32, #tpu.memory_space<hbm>> -> memref<10000x128xf32, #tpu.memory_space<hbm>>
      tpu.enqueue_indirect_dma source(%dma_start3A_29 : memref<10000x128xf32, #tpu.memory_space<hbm>>) target(%arg8 : memref<128x128xf32, #tpu.memory_space<vmem>>) offsets(%dma_start3A_26 : memref<128xi32, #tpu.memory_space<vmem>>) semaphore(%arg10 : memref<!tpu.dma_semaphore, #tpu.memory_space<semaphore_mem>>)
      %dma_wait3A = arith.constant 0 : i32
      %dma_wait3A_30 = tpu.memref_slice %arg6[%scan3A_24, %dma_wait3A] : memref<79x128xi32, #tpu.memory_space<vmem>> -> memref<1x128xi32, #tpu.memory_space<vmem>>
      %dma_wait3A_31 = tpu.memref_squeeze %dma_wait3A_30 : memref<1x128xi32, #tpu.memory_space<vmem>> -> memref<128xi32, #tpu.memory_space<vmem>>
      %dma_wait3A_32 = arith.constant 0 : i32
      %dma_wait3A_33 = arith.constant 0 : i32
      %dma_wait3A_34 = tpu.memref_slice %arg2[%dma_wait3A_32, %dma_wait3A_33] : memref<10000x128xf32, #tpu.memory_space<hbm>> -> memref<10000x128xf32, #tpu.memory_space<hbm>>
      tpu.wait_indirect_dma semaphore(%arg10 : memref<!tpu.dma_semaphore, #tpu.memory_space<semaphore_mem>>) src(%dma_wait3A_34 : memref<10000x128xf32, #tpu.memory_space<hbm>>) dst(%arg8 : memref<128x128xf32, #tpu.memory_space<vmem>>)
      "tpu.region"() ({
        %run_scoped3A = tpu.sem_alloc : memref<!tpu.dma_semaphore, #tpu.memory_space<semaphore_mem>>
        %dma_start3A_35 = arith.constant 0 : i32
        %dma_start3A_36 = tpu.memref_slice %arg7[%scan3A_24, %dma_start3A_35] : memref<79x128xi32, #tpu.memory_space<vmem>> -> memref<1x128xi32, #tpu.memory_space<vmem>>
        %dma_start3A_37 = tpu.memref_squeeze %dma_start3A_36 : memref<1x128xi32, #tpu.memory_space<vmem>> -> memref<128xi32, #tpu.memory_space<vmem>>
        %dma_start3A_38 = arith.constant 0 : i32
        %dma_start3A_39 = arith.constant 0 : i32
        %dma_start3A_40 = tpu.memref_slice %arg9[%dma_start3A_38, %dma_start3A_39] : memref<10112x128xf32, #tpu.memory_space<vmem_shared>> -> memref<10112x128xf32, #tpu.memory_space<vmem_shared>>
        tpu.enqueue_indirect_dma source(%arg8 : memref<128x128xf32, #tpu.memory_space<vmem>>) target(%dma_start3A_40 : memref<10112x128xf32, #tpu.memory_space<vmem_shared>>) offsets(%dma_start3A_37 : memref<128xi32, #tpu.memory_space<vmem>>) semaphore(%run_scoped3A : memref<!tpu.dma_semaphore, #tpu.memory_space<semaphore_mem>>) {add = true}
        %dma_wait3A_41 = arith.constant 0 : i32
        %dma_wait3A_42 = tpu.memref_slice %arg7[%scan3A_24, %dma_wait3A_41] : memref<79x128xi32, #tpu.memory_space<vmem>> -> memref<1x128xi32, #tpu.memory_space<vmem>>
        %dma_wait3A_43 = tpu.memref_squeeze %dma_wait3A_42 : memref<1x128xi32, #tpu.memory_space<vmem>> -> memref<128xi32, #tpu.memory_space<vmem>>
        %dma_wait3A_44 = arith.constant 0 : i32
        %dma_wait3A_45 = arith.constant 0 : i32
        %dma_wait3A_46 = tpu.memref_slice %arg9[%dma_wait3A_44, %dma_wait3A_45] : memref<10112x128xf32, #tpu.memory_space<vmem_shared>> -> memref<10112x128xf32, #tpu.memory_space<vmem_shared>>
        tpu.wait_indirect_dma semaphore(%run_scoped3A : memref<!tpu.dma_semaphore, #tpu.memory_space<semaphore_mem>>) src(%arg8 : memref<128x128xf32, #tpu.memory_space<vmem>>) dst(%dma_wait3A_46 : memref<10112x128xf32, #tpu.memory_space<vmem_shared>>)
        tpu.yield
      }) : () -> ()
    }
    %scan3A_18 = arith.constant 79 : i32
    %barrier3A_19 = arith.constant 0 : index
    tpu.barrier barrier_id(%barrier3A_19)
    %mul3A_20 = arith.constant 632 : i32
    %mul3A_21 = arith.muli %arg1, %mul3A_20 : i32
    %mul3A_22 = arith.constant 632 : i32
    %mul3A_23 = arith.muli %arg1, %mul3A_22 : i32
    "tpu.region"() ({
      %run_scoped3A = tpu.sem_alloc : memref<!tpu.dma_semaphore, #tpu.memory_space<semaphore_mem>>
      %dma_start3A = arith.constant 0 : i32
      %dma_start3A_24 = tpu.memref_slice %arg5[%arg0, %mul3A_23, %dma_start3A] : memref<2x10112x128xf32, #tpu.memory_space<hbm>> -> memref<1x632x128xf32, #tpu.memory_space<hbm>>
      %dma_start3A_25 = tpu.memref_squeeze %dma_start3A_24 : memref<1x632x128xf32, #tpu.memory_space<hbm>> -> memref<632x128xf32, #tpu.memory_space<hbm>>
      %dma_start3A_26 = arith.constant 0 : i32
      %dma_start3A_27 = tpu.memref_slice %arg9[%mul3A_21, %dma_start3A_26] : memref<10112x128xf32, #tpu.memory_space<vmem_shared>> -> memref<632x128xf32, #tpu.memory_space<vmem_shared>>
      tpu.enqueue_dma source(%dma_start3A_27 : memref<632x128xf32, #tpu.memory_space<vmem_shared>>) target(%dma_start3A_25 : memref<632x128xf32, #tpu.memory_space<hbm>>) target_semaphore(%run_scoped3A : memref<!tpu.dma_semaphore, #tpu.memory_space<semaphore_mem>>)
      %dma_wait3A = arith.constant 0 : i32
      %dma_wait3A_28 = tpu.memref_slice %arg5[%arg0, %mul3A_23, %dma_wait3A] : memref<2x10112x128xf32, #tpu.memory_space<hbm>> -> memref<1x632x128xf32, #tpu.memory_space<hbm>>
      %dma_wait3A_29 = tpu.memref_squeeze %dma_wait3A_28 : memref<1x632x128xf32, #tpu.memory_space<hbm>> -> memref<632x128xf32, #tpu.memory_space<hbm>>
      %dma_wait3A_30 = arith.constant 0 : i32
      %dma_wait3A_31 = tpu.memref_slice %arg9[%mul3A_21, %dma_wait3A_30] : memref<10112x128xf32, #tpu.memory_space<vmem_shared>> -> memref<632x128xf32, #tpu.memory_space<vmem_shared>>
      tpu.wait_dma2 semaphore(%run_scoped3A : memref<!tpu.dma_semaphore, #tpu.memory_space<semaphore_mem>>) src(%dma_wait3A_31 : memref<632x128xf32, #tpu.memory_space<vmem_shared>>) dst(%dma_wait3A_29 : memref<632x128xf32, #tpu.memory_space<hbm>>)
      tpu.yield
    }) : () -> ()
    return
  }
}

#map = affine_map<(d0, d1) -> (0, 0)>
#map1 = affine_map<(d0, d1) -> (0, 0, 0)>
module attributes {stable_mosaic.version = 14 : i64} {
  func.func @_sc_agg_body(%arg0: i32, %arg1: i32, %arg2: memref<10000x128xf32, #tpu.memory_space<hbm>>, %arg3: memref<32x79x128xi32, #tpu.memory_space<hbm>>, %arg4: memref<32x79x128xi32, #tpu.memory_space<hbm>>, %arg5: memref<2x10112x128xf32, #tpu.memory_space<hbm>>, %arg6: memref<79x128xi32, #tpu.memory_space<vmem>>, %arg7: memref<79x128xi32, #tpu.memory_space<vmem>>, %arg8: memref<128x128xf32, #tpu.memory_space<vmem>>, %arg9: memref<10112x128xf32, #tpu.memory_space<vmem_shared>>, %arg10: memref<!tpu.dma_semaphore, #tpu.memory_space<semaphore_mem>>) attributes {dimension_semantics = [#tpu.dimension_semantics<core_parallel>, #tpu.dimension_semantics<subcore_parallel>], iteration_bounds = array<i64: 2, 16>, scalar_prefetch = 0 : i64, scratch_operands = 5 : i64, tpu.core_type = #tpu.core_type<sc_vector_subcore>, window_params = [{transform_indices = #map}, {transform_indices = #map1}, {transform_indices = #map1}, {transform_indices = #map1}]} {
    %mul3A = arith.constant 16 : i32
    %mul3A_0 = arith.muli %arg0, %mul3A : i32
    %add3A = arith.addi %mul3A_0, %arg1 : i32
    "tpu.region"() ({
      %run_scoped3A = tpu.sem_alloc : memref<!tpu.dma_semaphore, #tpu.memory_space<semaphore_mem>>
      %dma_start3A = arith.constant 0 : i32
      %dma_start3A_24 = arith.constant 0 : i32
      %dma_start3A_25 = tpu.memref_slice %arg3[%add3A, %dma_start3A, %dma_start3A_24] : memref<32x79x128xi32, #tpu.memory_space<hbm>> -> memref<1x79x128xi32, #tpu.memory_space<hbm>>
      %dma_start3A_26 = tpu.memref_squeeze %dma_start3A_25 : memref<1x79x128xi32, #tpu.memory_space<hbm>> -> memref<79x128xi32, #tpu.memory_space<hbm>>
      %dma_start3A_27 = arith.constant 0 : i32
      %dma_start3A_28 = arith.constant 0 : i32
      %dma_start3A_29 = tpu.memref_slice %arg3[%add3A, %dma_start3A_27, %dma_start3A_28] : memref<32x79x128xi32, #tpu.memory_space<hbm>> -> memref<1x79x128xi32, #tpu.memory_space<hbm>>
      %dma_start3A_30 = tpu.memref_squeeze %dma_start3A_29 : memref<1x79x128xi32, #tpu.memory_space<hbm>> -> memref<79x128xi32, #tpu.memory_space<hbm>>
      tpu.enqueue_dma source(%dma_start3A_30 : memref<79x128xi32, #tpu.memory_space<hbm>>) target(%arg6 : memref<79x128xi32, #tpu.memory_space<vmem>>) target_semaphore(%run_scoped3A : memref<!tpu.dma_semaphore, #tpu.memory_space<semaphore_mem>>)
      %dma_wait3A = arith.constant 0 : i32
      %dma_wait3A_31 = arith.constant 0 : i32
      %dma_wait3A_32 = tpu.memref_slice %arg3[%add3A, %dma_wait3A, %dma_wait3A_31] : memref<32x79x128xi32, #tpu.memory_space<hbm>> -> memref<1x79x128xi32, #tpu.memory_space<hbm>>
      %dma_wait3A_33 = tpu.memref_squeeze %dma_wait3A_32 : memref<1x79x128xi32, #tpu.memory_space<hbm>> -> memref<79x128xi32, #tpu.memory_space<hbm>>
      %dma_wait3A_34 = arith.constant 0 : i32
      %dma_wait3A_35 = arith.constant 0 : i32
      %dma_wait3A_36 = tpu.memref_slice %arg3[%add3A, %dma_wait3A_34, %dma_wait3A_35] : memref<32x79x128xi32, #tpu.memory_space<hbm>> -> memref<1x79x128xi32, #tpu.memory_space<hbm>>
      %dma_wait3A_37 = tpu.memref_squeeze %dma_wait3A_36 : memref<1x79x128xi32, #tpu.memory_space<hbm>> -> memref<79x128xi32, #tpu.memory_space<hbm>>
      tpu.wait_dma2 semaphore(%run_scoped3A : memref<!tpu.dma_semaphore, #tpu.memory_space<semaphore_mem>>) src(%dma_wait3A_37 : memref<79x128xi32, #tpu.memory_space<hbm>>) dst(%arg6 : memref<79x128xi32, #tpu.memory_space<vmem>>)
      tpu.yield
    }) : () -> ()
    "tpu.region"() ({
      %run_scoped3A = tpu.sem_alloc : memref<!tpu.dma_semaphore, #tpu.memory_space<semaphore_mem>>
      %dma_start3A = arith.constant 0 : i32
      %dma_start3A_24 = arith.constant 0 : i32
      %dma_start3A_25 = tpu.memref_slice %arg4[%add3A, %dma_start3A, %dma_start3A_24] : memref<32x79x128xi32, #tpu.memory_space<hbm>> -> memref<1x79x128xi32, #tpu.memory_space<hbm>>
      %dma_start3A_26 = tpu.memref_squeeze %dma_start3A_25 : memref<1x79x128xi32, #tpu.memory_space<hbm>> -> memref<79x128xi32, #tpu.memory_space<hbm>>
      %dma_start3A_27 = arith.constant 0 : i32
      %dma_start3A_28 = arith.constant 0 : i32
      %dma_start3A_29 = tpu.memref_slice %arg4[%add3A, %dma_start3A_27, %dma_start3A_28] : memref<32x79x128xi32, #tpu.memory_space<hbm>> -> memref<1x79x128xi32, #tpu.memory_space<hbm>>
      %dma_start3A_30 = tpu.memref_squeeze %dma_start3A_29 : memref<1x79x128xi32, #tpu.memory_space<hbm>> -> memref<79x128xi32, #tpu.memory_space<hbm>>
      tpu.enqueue_dma source(%dma_start3A_30 : memref<79x128xi32, #tpu.memory_space<hbm>>) target(%arg7 : memref<79x128xi32, #tpu.memory_space<vmem>>) target_semaphore(%run_scoped3A : memref<!tpu.dma_semaphore, #tpu.memory_space<semaphore_mem>>)
      %dma_wait3A = arith.constant 0 : i32
      %dma_wait3A_31 = arith.constant 0 : i32
      %dma_wait3A_32 = tpu.memref_slice %arg4[%add3A, %dma_wait3A, %dma_wait3A_31] : memref<32x79x128xi32, #tpu.memory_space<hbm>> -> memref<1x79x128xi32, #tpu.memory_space<hbm>>
      %dma_wait3A_33 = tpu.memref_squeeze %dma_wait3A_32 : memref<1x79x128xi32, #tpu.memory_space<hbm>> -> memref<79x128xi32, #tpu.memory_space<hbm>>
      %dma_wait3A_34 = arith.constant 0 : i32
      %dma_wait3A_35 = arith.constant 0 : i32
      %dma_wait3A_36 = tpu.memref_slice %arg4[%add3A, %dma_wait3A_34, %dma_wait3A_35] : memref<32x79x128xi32, #tpu.memory_space<hbm>> -> memref<1x79x128xi32, #tpu.memory_space<hbm>>
      %dma_wait3A_37 = tpu.memref_squeeze %dma_wait3A_36 : memref<1x79x128xi32, #tpu.memory_space<hbm>> -> memref<79x128xi32, #tpu.memory_space<hbm>>
      tpu.wait_dma2 semaphore(%run_scoped3A : memref<!tpu.dma_semaphore, #tpu.memory_space<semaphore_mem>>) src(%dma_wait3A_37 : memref<79x128xi32, #tpu.memory_space<hbm>>) dst(%arg7 : memref<79x128xi32, #tpu.memory_space<vmem>>)
      tpu.yield
    }) : () -> ()
    %broadcast_in_dim3A = arith.constant 0.000000e+00 : f32
    %broadcast_in_dim3A_1 = vector.broadcast %broadcast_in_dim3A : f32 to vector<16xf32>
    %scan3A = arith.constant 0 : i32
    %scan3A_2 = arith.constant 0 : i32
    %scan3A_3 = arith.constant 128 : i32
    %scan3A_4 = arith.addi %scan3A_2, %scan3A_3 : i32
    %scan3A_5 = arith.constant 1 : i32
    scf.for %scan3A_24 = %scan3A_2 to %scan3A_4 step %scan3A_5  : i32 {
      %swap3A = arith.index_cast %scan3A_24 : i32 to index
      %swap3A_25 = arith.constant 0 : index
      %swap3A_26 = tpu.vector_load %arg8[%swap3A, %swap3A_25] {strides = array<i32>} : memref<128x128xf32, #tpu.memory_space<vmem>>, vector<1x16xf32>,
      %swap3A_27 = vector.shape_cast %swap3A_26 : vector<1x16xf32> to vector<16xf32>
      %swap3A_28 = vector.shape_cast %broadcast_in_dim3A_1 : vector<16xf32> to vector<1x16xf32>
      tpu.vector_store %arg8[%swap3A, %swap3A_25], %swap3A_28 {strides = array<i32>} : memref<128x128xf32, #tpu.memory_space<vmem>>, vector<1x16xf32>,
      %swap3A_29 = arith.index_cast %scan3A_24 : i32 to index
      %swap3A_30 = arith.constant 16 : index
      %swap3A_31 = tpu.vector_load %arg8[%swap3A_29, %swap3A_30] {strides = array<i32>} : memref<128x128xf32, #tpu.memory_space<vmem>>, vector<1x16xf32>,
      %swap3A_32 = vector.shape_cast %swap3A_31 : vector<1x16xf32> to vector<16xf32>
      %swap3A_33 = vector.shape_cast %broadcast_in_dim3A_1 : vector<16xf32> to vector<1x16xf32>
      tpu.vector_store %arg8[%swap3A_29, %swap3A_30], %swap3A_33 {strides = array<i32>} : memref<128x128xf32, #tpu.memory_space<vmem>>, vector<1x16xf32>,
      %swap3A_34 = arith.index_cast %scan3A_24 : i32 to index
      %swap3A_35 = arith.constant 32 : index
      %swap3A_36 = tpu.vector_load %arg8[%swap3A_34, %swap3A_35] {strides = array<i32>} : memref<128x128xf32, #tpu.memory_space<vmem>>, vector<1x16xf32>,
      %swap3A_37 = vector.shape_cast %swap3A_36 : vector<1x16xf32> to vector<16xf32>
      %swap3A_38 = vector.shape_cast %broadcast_in_dim3A_1 : vector<16xf32> to vector<1x16xf32>
      tpu.vector_store %arg8[%swap3A_34, %swap3A_35], %swap3A_38 {strides = array<i32>} : memref<128x128xf32, #tpu.memory_space<vmem>>, vector<1x16xf32>,
      %swap3A_39 = arith.index_cast %scan3A_24 : i32 to index
      %swap3A_40 = arith.constant 48 : index
      %swap3A_41 = tpu.vector_load %arg8[%swap3A_39, %swap3A_40] {strides = array<i32>} : memref<128x128xf32, #tpu.memory_space<vmem>>, vector<1x16xf32>,
      %swap3A_42 = vector.shape_cast %swap3A_41 : vector<1x16xf32> to vector<16xf32>
      %swap3A_43 = vector.shape_cast %broadcast_in_dim3A_1 : vector<16xf32> to vector<1x16xf32>
      tpu.vector_store %arg8[%swap3A_39, %swap3A_40], %swap3A_43 {strides = array<i32>} : memref<128x128xf32, #tpu.memory_space<vmem>>, vector<1x16xf32>,
      %swap3A_44 = arith.index_cast %scan3A_24 : i32 to index
      %swap3A_45 = arith.constant 64 : index
      %swap3A_46 = tpu.vector_load %arg8[%swap3A_44, %swap3A_45] {strides = array<i32>} : memref<128x128xf32, #tpu.memory_space<vmem>>, vector<1x16xf32>,
      %swap3A_47 = vector.shape_cast %swap3A_46 : vector<1x16xf32> to vector<16xf32>
      %swap3A_48 = vector.shape_cast %broadcast_in_dim3A_1 : vector<16xf32> to vector<1x16xf32>
      tpu.vector_store %arg8[%swap3A_44, %swap3A_45], %swap3A_48 {strides = array<i32>} : memref<128x128xf32, #tpu.memory_space<vmem>>, vector<1x16xf32>,
      %swap3A_49 = arith.index_cast %scan3A_24 : i32 to index
      %swap3A_50 = arith.constant 80 : index
      %swap3A_51 = tpu.vector_load %arg8[%swap3A_49, %swap3A_50] {strides = array<i32>} : memref<128x128xf32, #tpu.memory_space<vmem>>, vector<1x16xf32>,
      %swap3A_52 = vector.shape_cast %swap3A_51 : vector<1x16xf32> to vector<16xf32>
      %swap3A_53 = vector.shape_cast %broadcast_in_dim3A_1 : vector<16xf32> to vector<1x16xf32>
      tpu.vector_store %arg8[%swap3A_49, %swap3A_50], %swap3A_53 {strides = array<i32>} : memref<128x128xf32, #tpu.memory_space<vmem>>, vector<1x16xf32>,
      %swap3A_54 = arith.index_cast %scan3A_24 : i32 to index
      %swap3A_55 = arith.constant 96 : index
      %swap3A_56 = tpu.vector_load %arg8[%swap3A_54, %swap3A_55] {strides = array<i32>} : memref<128x128xf32, #tpu.memory_space<vmem>>, vector<1x16xf32>,
      %swap3A_57 = vector.shape_cast %swap3A_56 : vector<1x16xf32> to vector<16xf32>
      %swap3A_58 = vector.shape_cast %broadcast_in_dim3A_1 : vector<16xf32> to vector<1x16xf32>
      tpu.vector_store %arg8[%swap3A_54, %swap3A_55], %swap3A_58 {strides = array<i32>} : memref<128x128xf32, #tpu.memory_space<vmem>>, vector<1x16xf32>,
      %swap3A_59 = arith.index_cast %scan3A_24 : i32 to index
      %swap3A_60 = arith.constant 112 : index
      %swap3A_61 = tpu.vector_load %arg8[%swap3A_59, %swap3A_60] {strides = array<i32>} : memref<128x128xf32, #tpu.memory_space<vmem>>, vector<1x16xf32>,
      %swap3A_62 = vector.shape_cast %swap3A_61 : vector<1x16xf32> to vector<16xf32>
      %swap3A_63 = vector.shape_cast %broadcast_in_dim3A_1 : vector<16xf32> to vector<1x16xf32>
      tpu.vector_store %arg8[%swap3A_59, %swap3A_60], %swap3A_63 {strides = array<i32>} : memref<128x128xf32, #tpu.memory_space<vmem>>, vector<1x16xf32>,
    }
    %scan3A_6 = arith.constant 128 : i32
    %scan3A_7 = arith.constant 0 : i32
    %scan3A_8 = arith.constant 0 : i32
    %scan3A_9 = arith.constant 79 : i32
    %scan3A_10 = arith.addi %scan3A_8, %scan3A_9 : i32
    %scan3A_11 = arith.constant 1 : i32
    scf.for %scan3A_24 = %scan3A_8 to %scan3A_10 step %scan3A_11  : i32 {
      %rem3A = arith.constant 16 : i32
      %rem3A_25 = arith.remsi %scan3A_24, %rem3A : i32
      %eq3A = arith.cmpi eq, %rem3A_25, %arg1 : i32
      %convert_element_type3A = arith.extui %eq3A : i1 to i32
      %cond3A = arith.constant 0 : i32
      %cond3A_26 = arith.cmpi ne, %convert_element_type3A, %cond3A : i32
      scf.if %cond3A_26 {
        %mul3A_27 = arith.constant 128 : i32
        %mul3A_28 = arith.muli %scan3A_24, %mul3A_27 : i32
        "tpu.region"() ({
          %run_scoped3A = tpu.sem_alloc : memref<!tpu.dma_semaphore, #tpu.memory_space<semaphore_mem>>
          %dma_start3A = arith.constant 0 : i32
          %dma_start3A_29 = tpu.memref_slice %arg9[%mul3A_28, %dma_start3A] : memref<10112x128xf32, #tpu.memory_space<vmem_shared>> -> memref<128x128xf32, #tpu.memory_space<vmem_shared>>
          %dma_start3A_30 = arith.constant 0 : i32
          %dma_start3A_31 = tpu.memref_slice %arg9[%mul3A_28, %dma_start3A_30] : memref<10112x128xf32, #tpu.memory_space<vmem_shared>> -> memref<128x128xf32, #tpu.memory_space<vmem_shared>>
          tpu.enqueue_dma source(%arg8 : memref<128x128xf32, #tpu.memory_space<vmem>>) target(%dma_start3A_31 : memref<128x128xf32, #tpu.memory_space<vmem_shared>>) target_semaphore(%run_scoped3A : memref<!tpu.dma_semaphore, #tpu.memory_space<semaphore_mem>>)
          %dma_wait3A = arith.constant 0 : i32
          %dma_wait3A_32 = tpu.memref_slice %arg9[%mul3A_28, %dma_wait3A] : memref<10112x128xf32, #tpu.memory_space<vmem_shared>> -> memref<128x128xf32, #tpu.memory_space<vmem_shared>>
          %dma_wait3A_33 = arith.constant 0 : i32
          %dma_wait3A_34 = tpu.memref_slice %arg9[%mul3A_28, %dma_wait3A_33] : memref<10112x128xf32, #tpu.memory_space<vmem_shared>> -> memref<128x128xf32, #tpu.memory_space<vmem_shared>>
          tpu.wait_dma2 semaphore(%run_scoped3A : memref<!tpu.dma_semaphore, #tpu.memory_space<semaphore_mem>>) src(%arg8 : memref<128x128xf32, #tpu.memory_space<vmem>>) dst(%dma_wait3A_34 : memref<128x128xf32, #tpu.memory_space<vmem_shared>>)
          tpu.yield
        }) : () -> ()
      } else {
      }
    }
    %scan3A_12 = arith.constant 79 : i32
    %barrier3A = arith.constant 0 : index
    tpu.barrier barrier_id(%barrier3A)
    %scan3A_13 = arith.constant 0 : i32
    %scan3A_14 = arith.constant 0 : i32
    %scan3A_15 = arith.constant 79 : i32
    %scan3A_16 = arith.addi %scan3A_14, %scan3A_15 : i32
    %scan3A_17 = arith.constant 1 : i32
    scf.for %scan3A_24 = %scan3A_14 to %scan3A_16 step %scan3A_17  : i32 {
      %dma_start3A = arith.constant 0 : i32
      %dma_start3A_25 = tpu.memref_slice %arg6[%scan3A_24, %dma_start3A] : memref<79x128xi32, #tpu.memory_space<vmem>> -> memref<1x128xi32, #tpu.memory_space<vmem>>
      %dma_start3A_26 = tpu.memref_squeeze %dma_start3A_25 : memref<1x128xi32, #tpu.memory_space<vmem>> -> memref<128xi32, #tpu.memory_space<vmem>>
      %dma_start3A_27 = arith.constant 0 : i32
      %dma_start3A_28 = arith.constant 0 : i32
      %dma_start3A_29 = tpu.memref_slice %arg2[%dma_start3A_27, %dma_start3A_28] : memref<10000x128xf32, #tpu.memory_space<hbm>> -> memref<10000x128xf32, #tpu.memory_space<hbm>>
      tpu.enqueue_indirect_dma source(%dma_start3A_29 : memref<10000x128xf32, #tpu.memory_space<hbm>>) target(%arg8 : memref<128x128xf32, #tpu.memory_space<vmem>>) offsets(%dma_start3A_26 : memref<128xi32, #tpu.memory_space<vmem>>) semaphore(%arg10 : memref<!tpu.dma_semaphore, #tpu.memory_space<semaphore_mem>>)
      %dma_wait3A = arith.constant 0 : i32
      %dma_wait3A_30 = tpu.memref_slice %arg6[%scan3A_24, %dma_wait3A] : memref<79x128xi32, #tpu.memory_space<vmem>> -> memref<1x128xi32, #tpu.memory_space<vmem>>
      %dma_wait3A_31 = tpu.memref_squeeze %dma_wait3A_30 : memref<1x128xi32, #tpu.memory_space<vmem>> -> memref<128xi32, #tpu.memory_space<vmem>>
      %dma_wait3A_32 = arith.constant 0 : i32
      %dma_wait3A_33 = arith.constant 0 : i32
      %dma_wait3A_34 = tpu.memref_slice %arg2[%dma_wait3A_32, %dma_wait3A_33] : memref<10000x128xf32, #tpu.memory_space<hbm>> -> memref<10000x128xf32, #tpu.memory_space<hbm>>
      tpu.wait_indirect_dma semaphore(%arg10 : memref<!tpu.dma_semaphore, #tpu.memory_space<semaphore_mem>>) src(%dma_wait3A_34 : memref<10000x128xf32, #tpu.memory_space<hbm>>) dst(%arg8 : memref<128x128xf32, #tpu.memory_space<vmem>>)
      "tpu.region"() ({
        %run_scoped3A = tpu.sem_alloc : memref<!tpu.dma_semaphore, #tpu.memory_space<semaphore_mem>>
        %dma_start3A_35 = arith.constant 0 : i32
        %dma_start3A_36 = tpu.memref_slice %arg7[%scan3A_24, %dma_start3A_35] : memref<79x128xi32, #tpu.memory_space<vmem>> -> memref<1x128xi32, #tpu.memory_space<vmem>>
        %dma_start3A_37 = tpu.memref_squeeze %dma_start3A_36 : memref<1x128xi32, #tpu.memory_space<vmem>> -> memref<128xi32, #tpu.memory_space<vmem>>
        %dma_start3A_38 = arith.constant 0 : i32
        %dma_start3A_39 = arith.constant 0 : i32
        %dma_start3A_40 = tpu.memref_slice %arg9[%dma_start3A_38, %dma_start3A_39] : memref<10112x128xf32, #tpu.memory_space<vmem_shared>> -> memref<10112x128xf32, #tpu.memory_space<vmem_shared>>
        tpu.enqueue_indirect_dma source(%arg8 : memref<128x128xf32, #tpu.memory_space<vmem>>) target(%dma_start3A_40 : memref<10112x128xf32, #tpu.memory_space<vmem_shared>>) offsets(%dma_start3A_37 : memref<128xi32, #tpu.memory_space<vmem>>) semaphore(%run_scoped3A : memref<!tpu.dma_semaphore, #tpu.memory_space<semaphore_mem>>) {add = true}
        %dma_wait3A_41 = arith.constant 0 : i32
        %dma_wait3A_42 = tpu.memref_slice %arg7[%scan3A_24, %dma_wait3A_41] : memref<79x128xi32, #tpu.memory_space<vmem>> -> memref<1x128xi32, #tpu.memory_space<vmem>>
        %dma_wait3A_43 = tpu.memref_squeeze %dma_wait3A_42 : memref<1x128xi32, #tpu.memory_space<vmem>> -> memref<128xi32, #tpu.memory_space<vmem>>
        %dma_wait3A_44 = arith.constant 0 : i32
        %dma_wait3A_45 = arith.constant 0 : i32
        %dma_wait3A_46 = tpu.memref_slice %arg9[%dma_wait3A_44, %dma_wait3A_45] : memref<10112x128xf32, #tpu.memory_space<vmem_shared>> -> memref<10112x128xf32, #tpu.memory_space<vmem_shared>>
        tpu.wait_indirect_dma semaphore(%run_scoped3A : memref<!tpu.dma_semaphore, #tpu.memory_space<semaphore_mem>>) src(%arg8 : memref<128x128xf32, #tpu.memory_space<vmem>>) dst(%dma_wait3A_46 : memref<10112x128xf32, #tpu.memory_space<vmem_shared>>)
        tpu.yield
      }) : () -> ()
    }
    %scan3A_18 = arith.constant 79 : i32
    %barrier3A_19 = arith.constant 0 : index
    tpu.barrier barrier_id(%barrier3A_19)
    %mul3A_20 = arith.constant 632 : i32
    %mul3A_21 = arith.muli %arg1, %mul3A_20 : i32
    %mul3A_22 = arith.constant 632 : i32
    %mul3A_23 = arith.muli %arg1, %mul3A_22 : i32
    "tpu.region"() ({
      %run_scoped3A = tpu.sem_alloc : memref<!tpu.dma_semaphore, #tpu.memory_space<semaphore_mem>>
      %dma_start3A = arith.constant 0 : i32
      %dma_start3A_24 = tpu.memref_slice %arg5[%arg0, %mul3A_23, %dma_start3A] : memref<2x10112x128xf32, #tpu.memory_space<hbm>> -> memref<1x632x128xf32, #tpu.memory_space<hbm>>
      %dma_start3A_25 = tpu.memref_squeeze %dma_start3A_24 : memref<1x632x128xf32, #tpu.memory_space<hbm>> -> memref<632x128xf32, #tpu.memory_space<hbm>>
      %dma_start3A_26 = arith.constant 0 : i32
      %dma_start3A_27 = tpu.memref_slice %arg9[%mul3A_21, %dma_start3A_26] : memref<10112x128xf32, #tpu.memory_space<vmem_shared>> -> memref<632x128xf32, #tpu.memory_space<vmem_shared>>
      tpu.enqueue_dma source(%dma_start3A_27 : memref<632x128xf32, #tpu.memory_space<vmem_shared>>) target(%dma_start3A_25 : memref<632x128xf32, #tpu.memory_space<hbm>>) target_semaphore(%run_scoped3A : memref<!tpu.dma_semaphore, #tpu.memory_space<semaphore_mem>>)
      %dma_wait3A = arith.constant 0 : i32
      %dma_wait3A_28 = tpu.memref_slice %arg5[%arg0, %mul3A_23, %dma_wait3A] : memref<2x10112x128xf32, #tpu.memory_space<hbm>> -> memref<1x632x128xf32, #tpu.memory_space<hbm>>
      %dma_wait3A_29 = tpu.memref_squeeze %dma_wait3A_28 : memref<1x632x128xf32, #tpu.memory_space<hbm>> -> memref<632x128xf32, #tpu.memory_space<hbm>>
      %dma_wait3A_30 = arith.constant 0 : i32
      %dma_wait3A_31 = tpu.memref_slice %arg9[%mul3A_21, %dma_wait3A_30] : memref<10112x128xf32, #tpu.memory_space<vmem_shared>> -> memref<632x128xf32, #tpu.memory_space<vmem_shared>>
      tpu.wait_dma2 semaphore(%run_scoped3A : memref<!tpu.dma_semaphore, #tpu.memory_space<semaphore_mem>>) src(%dma_wait3A_31 : memref<632x128xf32, #tpu.memory_space<vmem_shared>>) dst(%dma_wait3A_29 : memref<632x128xf32, #tpu.memory_space<hbm>>)
      tpu.yield
    }) : () -> ()
    return
  }
}

module attributes {stable_mosaic.version = 14 : i64} {
  func.func @_dense_body(%arg0: memref<10000x128xf32, #tpu.memory_space<vmem>>, %arg1: memref<2x10112x128xf32, #tpu.memory_space<vmem>>, %arg2: memref<128x128xf32, #tpu.memory_space<vmem>>, %arg3: memref<1x128xf32, #tpu.memory_space<vmem>>, %arg4: memref<1x128xf32, #tpu.memory_space<vmem>>, %arg5: memref<128x128xf32, #tpu.memory_space<vmem>>, %arg6: memref<10000x128xf32, #tpu.memory_space<vmem>>) attributes {dimension_semantics = [], scalar_prefetch = 0 : i64, scratch_operands = 0 : i64, tpu.core_type = #tpu.core_type<tc>} {
    %get3A = arith.constant 0 : index
    %get3A_0 = arith.constant 0 : index
    %get3A_1 = vector.load %arg0[%get3A, %get3A_0] : memref<10000x128xf32, #tpu.memory_space<vmem>>, vector<10000x128xf32>
    %get3A_2 = arith.constant 0 : index
    %get3A_3 = arith.constant 0 : index
    %get3A_4 = arith.constant 0 : index
    %get3A_5 = vector.load %arg1[%get3A_2, %get3A_3, %get3A_4] : memref<2x10112x128xf32, #tpu.memory_space<vmem>>, vector<1x10000x128xf32>
    %get3A_6 = vector.shape_cast %get3A_5 : vector<1x10000x128xf32> to vector<10000x128xf32>
    %add3A = arith.addf %get3A_1, %get3A_6 : vector<10000x128xf32>
    %get3A_7 = arith.constant 1 : index
    %get3A_8 = arith.constant 0 : index
    %get3A_9 = arith.constant 0 : index
    %get3A_10 = vector.load %arg1[%get3A_7, %get3A_8, %get3A_9] : memref<2x10112x128xf32, #tpu.memory_space<vmem>>, vector<1x10000x128xf32>
    %get3A_11 = vector.shape_cast %get3A_10 : vector<1x10000x128xf32> to vector<10000x128xf32>
    %add3A_12 = arith.addf %add3A, %get3A_11 : vector<10000x128xf32>
    %get3A_13 = arith.constant 0 : index
    %get3A_14 = arith.constant 0 : index
    %get3A_15 = vector.load %arg2[%get3A_13, %get3A_14] : memref<128x128xf32, #tpu.memory_space<vmem>>, vector<128x128xf32>
    %dot_general3A = arith.constant dense<0.000000e+00> : vector<10000x128xf32>
    %dot_general3A_16 = tpu.matmul %add3A_12, %get3A_15, %dot_general3A {dimension_numbers = #tpu.dot_dimension_numbers<[1], [0], [0], [1], [0, 0, 1, 1], [], []>, transpose_lhs_hint = false} : vector<10000x128xf32>, vector<128x128xf32>, vector<10000x128xf32> -> vector<10000x128xf32>
    %reduce_sum3A = arith.constant dense<0.000000e+00> : vector<128xf32>
    %reduce_sum3A_17 = vector.multi_reduction <add>, %dot_general3A_16, %reduce_sum3A [0] : vector<10000x128xf32> to vector<128xf32>
    %broadcast_in_dim3A = vector.shape_cast %reduce_sum3A_17 : vector<128xf32> to vector<1x128xf32>
    %div3A = arith.constant 1.000000e+04 : f32
    %div3A_18 = vector.broadcast %div3A : f32 to vector<1x128xf32>
    %div3A_19 = arith.divf %broadcast_in_dim3A, %div3A_18 : vector<1x128xf32>
    %sub3A = vector.broadcast %div3A_19 : vector<1x128xf32> to vector<10000x128xf32>
    %sub3A_20 = arith.subf %dot_general3A_16, %sub3A : vector<10000x128xf32>
    %mul3A = arith.mulf %sub3A_20, %sub3A_20 : vector<10000x128xf32>
    %reduce_sum3A_21 = arith.constant dense<0.000000e+00> : vector<128xf32>
    %reduce_sum3A_22 = vector.multi_reduction <add>, %mul3A, %reduce_sum3A_21 [0] : vector<10000x128xf32> to vector<128xf32>
    %broadcast_in_dim3A_23 = vector.shape_cast %reduce_sum3A_22 : vector<128xf32> to vector<1x128xf32>
    %div3A_24 = arith.constant 1.000000e+04 : f32
    %div3A_25 = vector.broadcast %div3A_24 : f32 to vector<1x128xf32>
    %div3A_26 = arith.divf %broadcast_in_dim3A_23, %div3A_25 : vector<1x128xf32>
    %get3A_27 = arith.constant 0 : index
    %get3A_28 = arith.constant 0 : index
    %get3A_29 = vector.load %arg3[%get3A_27, %get3A_28] : memref<1x128xf32, #tpu.memory_space<vmem>>, vector<1x128xf32>
    %mul3A_30 = vector.broadcast %get3A_29 : vector<1x128xf32> to vector<10000x128xf32>
    %mul3A_31 = arith.mulf %mul3A_30, %sub3A_20 : vector<10000x128xf32>
    %add3A_32 = arith.constant 9.99999974E-6 : f32
    %add3A_33 = vector.broadcast %add3A_32 : f32 to vector<1x128xf32>
    %add3A_34 = arith.addf %div3A_26, %add3A_33 : vector<1x128xf32>
    %rsqrt3A = math.rsqrt %add3A_34 : vector<1x128xf32>
    %mul3A_35 = vector.broadcast %rsqrt3A : vector<1x128xf32> to vector<10000x128xf32>
    %mul3A_36 = arith.mulf %mul3A_31, %mul3A_35 : vector<10000x128xf32>
    %get3A_37 = arith.constant 0 : index
    %get3A_38 = arith.constant 0 : index
    %get3A_39 = vector.load %arg4[%get3A_37, %get3A_38] : memref<1x128xf32, #tpu.memory_space<vmem>>, vector<1x128xf32>
    %add3A_40 = vector.broadcast %get3A_39 : vector<1x128xf32> to vector<10000x128xf32>
    %add3A_41 = arith.addf %mul3A_36, %add3A_40 : vector<10000x128xf32>
    %max3A = arith.constant 0.000000e+00 : f32
    %max3A_42 = vector.broadcast %max3A : f32 to vector<10000x128xf32>
    %max3A_43 = arith.maximumf %add3A_41, %max3A_42 : vector<10000x128xf32>
    %get3A_44 = arith.constant 0 : index
    %get3A_45 = arith.constant 0 : index
    %get3A_46 = vector.load %arg5[%get3A_44, %get3A_45] : memref<128x128xf32, #tpu.memory_space<vmem>>, vector<128x128xf32>
    %dot_general3A_47 = arith.constant dense<0.000000e+00> : vector<10000x128xf32>
    %dot_general3A_48 = tpu.matmul %max3A_43, %get3A_46, %dot_general3A_47 {dimension_numbers = #tpu.dot_dimension_numbers<[1], [0], [0], [1], [0, 0, 1, 1], [], []>, transpose_lhs_hint = false} : vector<10000x128xf32>, vector<128x128xf32>, vector<10000x128xf32> -> vector<10000x128xf32>
    %max3A_49 = arith.constant 0.000000e+00 : f32
    %max3A_50 = vector.broadcast %max3A_49 : f32 to vector<10000x128xf32>
    %max3A_51 = arith.maximumf %dot_general3A_48, %max3A_50 : vector<10000x128xf32>
    %swap3A = arith.constant 0 : index
    %swap3A_52 = arith.constant 0 : index
    %swap3A_53 = vector.load %arg6[%swap3A, %swap3A_52] : memref<10000x128xf32, #tpu.memory_space<vmem>>, vector<10000x128xf32>
    tpu.vector_store %arg6[%swap3A, %swap3A_52], %max3A_51 {strides = array<i32>} : memref<10000x128xf32, #tpu.memory_space<vmem>>, vector<10000x128xf32>,
    return
  }
}

module attributes {stable_mosaic.version = 14 : i64} {
  func.func @_head_body(%arg0: memref<10000x128xf32, #tpu.memory_space<vmem>>, %arg1: memref<10000x1xi32, #tpu.memory_space<vmem>>, %arg2: memref<128x128xf32, #tpu.memory_space<vmem>>, %arg3: memref<128x16xf32, #tpu.memory_space<vmem>>, %arg4: memref<1x16xf32, #tpu.memory_space<vmem>>, %arg5: memref<512x16xf32, #tpu.memory_space<vmem>>) attributes {dimension_semantics = [], scalar_prefetch = 0 : i64, scratch_operands = 0 : i64, tpu.core_type = #tpu.core_type<tc>} {
    %broadcast_in_dim3A = arith.constant 0.000000e+00 : f32
    %broadcast_in_dim3A_0 = vector.broadcast %broadcast_in_dim3A : f32 to vector<512x128xf32>
    %broadcast_in_dim3A_1 = arith.constant 0.000000e+00 : f32
    %broadcast_in_dim3A_2 = vector.broadcast %broadcast_in_dim3A_1 : f32 to vector<512x1xf32>
    %broadcast_in_dim3A_3 = arith.constant 1.000000e+00 : f32
    %broadcast_in_dim3A_4 = vector.broadcast %broadcast_in_dim3A_3 : f32 to vector<1000x1xf32>
    %get3A = arith.constant 0 : index
    %get3A_5 = arith.constant 0 : index
    %get3A_6 = vector.load %arg0[%get3A, %get3A_5] : memref<10000x128xf32, #tpu.memory_space<vmem>>, vector<1000x128xf32>
    %get3A_7 = arith.constant 0 : index
    %get3A_8 = arith.constant 0 : index
    %get3A_9 = vector.load %arg1[%get3A_7, %get3A_8] : memref<10000x1xi32, #tpu.memory_space<vmem>>, vector<1000x1xi32>
    %iota3A = tpu.iota {dimensions = array<i32: 1>} : vector<1000x512xi32>
    %eq3A = vector.broadcast %get3A_9 : vector<1000x1xi32> to vector<1000x512xi32>
    %eq3A_10 = arith.cmpi eq, %eq3A, %iota3A : vector<1000x512xi32>
    %convert_element_type3A = arith.extui %eq3A_10 : vector<1000x512xi1> to vector<1000x512xi32>
    %convert_element_type3A_11 = arith.sitofp %convert_element_type3A : vector<1000x512xi32> to vector<1000x512xf32>
    %dot_general3A = arith.constant dense<0.000000e+00> : vector<512x128xf32>
    %dot_general3A_12 = tpu.matmul %convert_element_type3A_11, %get3A_6, %dot_general3A {dimension_numbers = #tpu.dot_dimension_numbers<[0], [0], [1], [1], [0, 1, 1, 1], [], []>, transpose_lhs_hint = false} : vector<1000x512xf32>, vector<1000x128xf32>, vector<512x128xf32> -> vector<512x128xf32>
    %add3A = arith.addf %broadcast_in_dim3A_0, %dot_general3A_12 : vector<512x128xf32>
    %dot_general3A_13 = arith.constant dense<0.000000e+00> : vector<512x1xf32>
    %dot_general3A_14 = tpu.matmul %convert_element_type3A_11, %broadcast_in_dim3A_4, %dot_general3A_13 {dimension_numbers = #tpu.dot_dimension_numbers<[0], [0], [1], [1], [0, 1, 1, 1], [], []>, transpose_lhs_hint = false} : vector<1000x512xf32>, vector<1000x1xf32>, vector<512x1xf32> -> vector<512x1xf32>
    %add3A_15 = arith.addf %broadcast_in_dim3A_2, %dot_general3A_14 : vector<512x1xf32>
    %get3A_16 = arith.constant 1000 : index
    %get3A_17 = arith.constant 0 : index
    %get3A_18 = vector.load %arg0[%get3A_16, %get3A_17] : memref<10000x128xf32, #tpu.memory_space<vmem>>, vector<1000x128xf32>
    %get3A_19 = arith.constant 1000 : index
    %get3A_20 = arith.constant 0 : index
    %get3A_21 = vector.load %arg1[%get3A_19, %get3A_20] : memref<10000x1xi32, #tpu.memory_space<vmem>>, vector<1000x1xi32>
    %iota3A_22 = tpu.iota {dimensions = array<i32: 1>} : vector<1000x512xi32>
    %eq3A_23 = vector.broadcast %get3A_21 : vector<1000x1xi32> to vector<1000x512xi32>
    %eq3A_24 = arith.cmpi eq, %eq3A_23, %iota3A_22 : vector<1000x512xi32>
    %convert_element_type3A_25 = arith.extui %eq3A_24 : vector<1000x512xi1> to vector<1000x512xi32>
    %convert_element_type3A_26 = arith.sitofp %convert_element_type3A_25 : vector<1000x512xi32> to vector<1000x512xf32>
    %dot_general3A_27 = arith.constant dense<0.000000e+00> : vector<512x128xf32>
    %dot_general3A_28 = tpu.matmul %convert_element_type3A_26, %get3A_18, %dot_general3A_27 {dimension_numbers = #tpu.dot_dimension_numbers<[0], [0], [1], [1], [0, 1, 1, 1], [], []>, transpose_lhs_hint = false} : vector<1000x512xf32>, vector<1000x128xf32>, vector<512x128xf32> -> vector<512x128xf32>
    %add3A_29 = arith.addf %add3A, %dot_general3A_28 : vector<512x128xf32>
    %dot_general3A_30 = arith.constant dense<0.000000e+00> : vector<512x1xf32>
    %dot_general3A_31 = tpu.matmul %convert_element_type3A_26, %broadcast_in_dim3A_4, %dot_general3A_30 {dimension_numbers = #tpu.dot_dimension_numbers<[0], [0], [1], [1], [0, 1, 1, 1], [], []>, transpose_lhs_hint = false} : vector<1000x512xf32>, vector<1000x1xf32>, vector<512x1xf32> -> vector<512x1xf32>
    %add3A_32 = arith.addf %add3A_15, %dot_general3A_31 : vector<512x1xf32>
    %get3A_33 = arith.constant 2000 : index
    %get3A_34 = arith.constant 0 : index
    %get3A_35 = vector.load %arg0[%get3A_33, %get3A_34] : memref<10000x128xf32, #tpu.memory_space<vmem>>, vector<1000x128xf32>
    %get3A_36 = arith.constant 2000 : index
    %get3A_37 = arith.constant 0 : index
    %get3A_38 = vector.load %arg1[%get3A_36, %get3A_37] : memref<10000x1xi32, #tpu.memory_space<vmem>>, vector<1000x1xi32>
    %iota3A_39 = tpu.iota {dimensions = array<i32: 1>} : vector<1000x512xi32>
    %eq3A_40 = vector.broadcast %get3A_38 : vector<1000x1xi32> to vector<1000x512xi32>
    %eq3A_41 = arith.cmpi eq, %eq3A_40, %iota3A_39 : vector<1000x512xi32>
    %convert_element_type3A_42 = arith.extui %eq3A_41 : vector<1000x512xi1> to vector<1000x512xi32>
    %convert_element_type3A_43 = arith.sitofp %convert_element_type3A_42 : vector<1000x512xi32> to vector<1000x512xf32>
    %dot_general3A_44 = arith.constant dense<0.000000e+00> : vector<512x128xf32>
    %dot_general3A_45 = tpu.matmul %convert_element_type3A_43, %get3A_35, %dot_general3A_44 {dimension_numbers = #tpu.dot_dimension_numbers<[0], [0], [1], [1], [0, 1, 1, 1], [], []>, transpose_lhs_hint = false} : vector<1000x512xf32>, vector<1000x128xf32>, vector<512x128xf32> -> vector<512x128xf32>
    %add3A_46 = arith.addf %add3A_29, %dot_general3A_45 : vector<512x128xf32>
    %dot_general3A_47 = arith.constant dense<0.000000e+00> : vector<512x1xf32>
    %dot_general3A_48 = tpu.matmul %convert_element_type3A_43, %broadcast_in_dim3A_4, %dot_general3A_47 {dimension_numbers = #tpu.dot_dimension_numbers<[0], [0], [1], [1], [0, 1, 1, 1], [], []>, transpose_lhs_hint = false} : vector<1000x512xf32>, vector<1000x1xf32>, vector<512x1xf32> -> vector<512x1xf32>
    %add3A_49 = arith.addf %add3A_32, %dot_general3A_48 : vector<512x1xf32>
    %get3A_50 = arith.constant 3000 : index
    %get3A_51 = arith.constant 0 : index
    %get3A_52 = vector.load %arg0[%get3A_50, %get3A_51] : memref<10000x128xf32, #tpu.memory_space<vmem>>, vector<1000x128xf32>
    %get3A_53 = arith.constant 3000 : index
    %get3A_54 = arith.constant 0 : index
    %get3A_55 = vector.load %arg1[%get3A_53, %get3A_54] : memref<10000x1xi32, #tpu.memory_space<vmem>>, vector<1000x1xi32>
    %iota3A_56 = tpu.iota {dimensions = array<i32: 1>} : vector<1000x512xi32>
    %eq3A_57 = vector.broadcast %get3A_55 : vector<1000x1xi32> to vector<1000x512xi32>
    %eq3A_58 = arith.cmpi eq, %eq3A_57, %iota3A_56 : vector<1000x512xi32>
    %convert_element_type3A_59 = arith.extui %eq3A_58 : vector<1000x512xi1> to vector<1000x512xi32>
    %convert_element_type3A_60 = arith.sitofp %convert_element_type3A_59 : vector<1000x512xi32> to vector<1000x512xf32>
    %dot_general3A_61 = arith.constant dense<0.000000e+00> : vector<512x128xf32>
    %dot_general3A_62 = tpu.matmul %convert_element_type3A_60, %get3A_52, %dot_general3A_61 {dimension_numbers = #tpu.dot_dimension_numbers<[0], [0], [1], [1], [0, 1, 1, 1], [], []>, transpose_lhs_hint = false} : vector<1000x512xf32>, vector<1000x128xf32>, vector<512x128xf32> -> vector<512x128xf32>
    %add3A_63 = arith.addf %add3A_46, %dot_general3A_62 : vector<512x128xf32>
    %dot_general3A_64 = arith.constant dense<0.000000e+00> : vector<512x1xf32>
    %dot_general3A_65 = tpu.matmul %convert_element_type3A_60, %broadcast_in_dim3A_4, %dot_general3A_64 {dimension_numbers = #tpu.dot_dimension_numbers<[0], [0], [1], [1], [0, 1, 1, 1], [], []>, transpose_lhs_hint = false} : vector<1000x512xf32>, vector<1000x1xf32>, vector<512x1xf32> -> vector<512x1xf32>
    %add3A_66 = arith.addf %add3A_49, %dot_general3A_65 : vector<512x1xf32>
    %get3A_67 = arith.constant 4000 : index
    %get3A_68 = arith.constant 0 : index
    %get3A_69 = vector.load %arg0[%get3A_67, %get3A_68] : memref<10000x128xf32, #tpu.memory_space<vmem>>, vector<1000x128xf32>
    %get3A_70 = arith.constant 4000 : index
    %get3A_71 = arith.constant 0 : index
    %get3A_72 = vector.load %arg1[%get3A_70, %get3A_71] : memref<10000x1xi32, #tpu.memory_space<vmem>>, vector<1000x1xi32>
    %iota3A_73 = tpu.iota {dimensions = array<i32: 1>} : vector<1000x512xi32>
    %eq3A_74 = vector.broadcast %get3A_72 : vector<1000x1xi32> to vector<1000x512xi32>
    %eq3A_75 = arith.cmpi eq, %eq3A_74, %iota3A_73 : vector<1000x512xi32>
    %convert_element_type3A_76 = arith.extui %eq3A_75 : vector<1000x512xi1> to vector<1000x512xi32>
    %convert_element_type3A_77 = arith.sitofp %convert_element_type3A_76 : vector<1000x512xi32> to vector<1000x512xf32>
    %dot_general3A_78 = arith.constant dense<0.000000e+00> : vector<512x128xf32>
    %dot_general3A_79 = tpu.matmul %convert_element_type3A_77, %get3A_69, %dot_general3A_78 {dimension_numbers = #tpu.dot_dimension_numbers<[0], [0], [1], [1], [0, 1, 1, 1], [], []>, transpose_lhs_hint = false} : vector<1000x512xf32>, vector<1000x128xf32>, vector<512x128xf32> -> vector<512x128xf32>
    %add3A_80 = arith.addf %add3A_63, %dot_general3A_79 : vector<512x128xf32>
    %dot_general3A_81 = arith.constant dense<0.000000e+00> : vector<512x1xf32>
    %dot_general3A_82 = tpu.matmul %convert_element_type3A_77, %broadcast_in_dim3A_4, %dot_general3A_81 {dimension_numbers = #tpu.dot_dimension_numbers<[0], [0], [1], [1], [0, 1, 1, 1], [], []>, transpose_lhs_hint = false} : vector<1000x512xf32>, vector<1000x1xf32>, vector<512x1xf32> -> vector<512x1xf32>
    %add3A_83 = arith.addf %add3A_66, %dot_general3A_82 : vector<512x1xf32>
    %get3A_84 = arith.constant 5000 : index
    %get3A_85 = arith.constant 0 : index
    %get3A_86 = vector.load %arg0[%get3A_84, %get3A_85] : memref<10000x128xf32, #tpu.memory_space<vmem>>, vector<1000x128xf32>
    %get3A_87 = arith.constant 5000 : index
    %get3A_88 = arith.constant 0 : index
    %get3A_89 = vector.load %arg1[%get3A_87, %get3A_88] : memref<10000x1xi32, #tpu.memory_space<vmem>>, vector<1000x1xi32>
    %iota3A_90 = tpu.iota {dimensions = array<i32: 1>} : vector<1000x512xi32>
    %eq3A_91 = vector.broadcast %get3A_89 : vector<1000x1xi32> to vector<1000x512xi32>
    %eq3A_92 = arith.cmpi eq, %eq3A_91, %iota3A_90 : vector<1000x512xi32>
    %convert_element_type3A_93 = arith.extui %eq3A_92 : vector<1000x512xi1> to vector<1000x512xi32>
    %convert_element_type3A_94 = arith.sitofp %convert_element_type3A_93 : vector<1000x512xi32> to vector<1000x512xf32>
    %dot_general3A_95 = arith.constant dense<0.000000e+00> : vector<512x128xf32>
    %dot_general3A_96 = tpu.matmul %convert_element_type3A_94, %get3A_86, %dot_general3A_95 {dimension_numbers = #tpu.dot_dimension_numbers<[0], [0], [1], [1], [0, 1, 1, 1], [], []>, transpose_lhs_hint = false} : vector<1000x512xf32>, vector<1000x128xf32>, vector<512x128xf32> -> vector<512x128xf32>
    %add3A_97 = arith.addf %add3A_80, %dot_general3A_96 : vector<512x128xf32>
    %dot_general3A_98 = arith.constant dense<0.000000e+00> : vector<512x1xf32>
    %dot_general3A_99 = tpu.matmul %convert_element_type3A_94, %broadcast_in_dim3A_4, %dot_general3A_98 {dimension_numbers = #tpu.dot_dimension_numbers<[0], [0], [1], [1], [0, 1, 1, 1], [], []>, transpose_lhs_hint = false} : vector<1000x512xf32>, vector<1000x1xf32>, vector<512x1xf32> -> vector<512x1xf32>
    %add3A_100 = arith.addf %add3A_83, %dot_general3A_99 : vector<512x1xf32>
    %get3A_101 = arith.constant 6000 : index
    %get3A_102 = arith.constant 0 : index
    %get3A_103 = vector.load %arg0[%get3A_101, %get3A_102] : memref<10000x128xf32, #tpu.memory_space<vmem>>, vector<1000x128xf32>
    %get3A_104 = arith.constant 6000 : index
    %get3A_105 = arith.constant 0 : index
    %get3A_106 = vector.load %arg1[%get3A_104, %get3A_105] : memref<10000x1xi32, #tpu.memory_space<vmem>>, vector<1000x1xi32>
    %iota3A_107 = tpu.iota {dimensions = array<i32: 1>} : vector<1000x512xi32>
    %eq3A_108 = vector.broadcast %get3A_106 : vector<1000x1xi32> to vector<1000x512xi32>
    %eq3A_109 = arith.cmpi eq, %eq3A_108, %iota3A_107 : vector<1000x512xi32>
    %convert_element_type3A_110 = arith.extui %eq3A_109 : vector<1000x512xi1> to vector<1000x512xi32>
    %convert_element_type3A_111 = arith.sitofp %convert_element_type3A_110 : vector<1000x512xi32> to vector<1000x512xf32>
    %dot_general3A_112 = arith.constant dense<0.000000e+00> : vector<512x128xf32>
    %dot_general3A_113 = tpu.matmul %convert_element_type3A_111, %get3A_103, %dot_general3A_112 {dimension_numbers = #tpu.dot_dimension_numbers<[0], [0], [1], [1], [0, 1, 1, 1], [], []>, transpose_lhs_hint = false} : vector<1000x512xf32>, vector<1000x128xf32>, vector<512x128xf32> -> vector<512x128xf32>
    %add3A_114 = arith.addf %add3A_97, %dot_general3A_113 : vector<512x128xf32>
    %dot_general3A_115 = arith.constant dense<0.000000e+00> : vector<512x1xf32>
    %dot_general3A_116 = tpu.matmul %convert_element_type3A_111, %broadcast_in_dim3A_4, %dot_general3A_115 {dimension_numbers = #tpu.dot_dimension_numbers<[0], [0], [1], [1], [0, 1, 1, 1], [], []>, transpose_lhs_hint = false} : vector<1000x512xf32>, vector<1000x1xf32>, vector<512x1xf32> -> vector<512x1xf32>
    %add3A_117 = arith.addf %add3A_100, %dot_general3A_116 : vector<512x1xf32>
    %get3A_118 = arith.constant 7000 : index
    %get3A_119 = arith.constant 0 : index
    %get3A_120 = vector.load %arg0[%get3A_118, %get3A_119] : memref<10000x128xf32, #tpu.memory_space<vmem>>, vector<1000x128xf32>
    %get3A_121 = arith.constant 7000 : index
    %get3A_122 = arith.constant 0 : index
    %get3A_123 = vector.load %arg1[%get3A_121, %get3A_122] : memref<10000x1xi32, #tpu.memory_space<vmem>>, vector<1000x1xi32>
    %iota3A_124 = tpu.iota {dimensions = array<i32: 1>} : vector<1000x512xi32>
    %eq3A_125 = vector.broadcast %get3A_123 : vector<1000x1xi32> to vector<1000x512xi32>
    %eq3A_126 = arith.cmpi eq, %eq3A_125, %iota3A_124 : vector<1000x512xi32>
    %convert_element_type3A_127 = arith.extui %eq3A_126 : vector<1000x512xi1> to vector<1000x512xi32>
    %convert_element_type3A_128 = arith.sitofp %convert_element_type3A_127 : vector<1000x512xi32> to vector<1000x512xf32>
    %dot_general3A_129 = arith.constant dense<0.000000e+00> : vector<512x128xf32>
    %dot_general3A_130 = tpu.matmul %convert_element_type3A_128, %get3A_120, %dot_general3A_129 {dimension_numbers = #tpu.dot_dimension_numbers<[0], [0], [1], [1], [0, 1, 1, 1], [], []>, transpose_lhs_hint = false} : vector<1000x512xf32>, vector<1000x128xf32>, vector<512x128xf32> -> vector<512x128xf32>
    %add3A_131 = arith.addf %add3A_114, %dot_general3A_130 : vector<512x128xf32>
    %dot_general3A_132 = arith.constant dense<0.000000e+00> : vector<512x1xf32>
    %dot_general3A_133 = tpu.matmul %convert_element_type3A_128, %broadcast_in_dim3A_4, %dot_general3A_132 {dimension_numbers = #tpu.dot_dimension_numbers<[0], [0], [1], [1], [0, 1, 1, 1], [], []>, transpose_lhs_hint = false} : vector<1000x512xf32>, vector<1000x1xf32>, vector<512x1xf32> -> vector<512x1xf32>
    %add3A_134 = arith.addf %add3A_117, %dot_general3A_133 : vector<512x1xf32>
    %get3A_135 = arith.constant 8000 : index
    %get3A_136 = arith.constant 0 : index
    %get3A_137 = vector.load %arg0[%get3A_135, %get3A_136] : memref<10000x128xf32, #tpu.memory_space<vmem>>, vector<1000x128xf32>
    %get3A_138 = arith.constant 8000 : index
    %get3A_139 = arith.constant 0 : index
    %get3A_140 = vector.load %arg1[%get3A_138, %get3A_139] : memref<10000x1xi32, #tpu.memory_space<vmem>>, vector<1000x1xi32>
    %iota3A_141 = tpu.iota {dimensions = array<i32: 1>} : vector<1000x512xi32>
    %eq3A_142 = vector.broadcast %get3A_140 : vector<1000x1xi32> to vector<1000x512xi32>
    %eq3A_143 = arith.cmpi eq, %eq3A_142, %iota3A_141 : vector<1000x512xi32>
    %convert_element_type3A_144 = arith.extui %eq3A_143 : vector<1000x512xi1> to vector<1000x512xi32>
    %convert_element_type3A_145 = arith.sitofp %convert_element_type3A_144 : vector<1000x512xi32> to vector<1000x512xf32>
    %dot_general3A_146 = arith.constant dense<0.000000e+00> : vector<512x128xf32>
    %dot_general3A_147 = tpu.matmul %convert_element_type3A_145, %get3A_137, %dot_general3A_146 {dimension_numbers = #tpu.dot_dimension_numbers<[0], [0], [1], [1], [0, 1, 1, 1], [], []>, transpose_lhs_hint = false} : vector<1000x512xf32>, vector<1000x128xf32>, vector<512x128xf32> -> vector<512x128xf32>
    %add3A_148 = arith.addf %add3A_131, %dot_general3A_147 : vector<512x128xf32>
    %dot_general3A_149 = arith.constant dense<0.000000e+00> : vector<512x1xf32>
    %dot_general3A_150 = tpu.matmul %convert_element_type3A_145, %broadcast_in_dim3A_4, %dot_general3A_149 {dimension_numbers = #tpu.dot_dimension_numbers<[0], [0], [1], [1], [0, 1, 1, 1], [], []>, transpose_lhs_hint = false} : vector<1000x512xf32>, vector<1000x1xf32>, vector<512x1xf32> -> vector<512x1xf32>
    %add3A_151 = arith.addf %add3A_134, %dot_general3A_150 : vector<512x1xf32>
    %get3A_152 = arith.constant 9000 : index
    %get3A_153 = arith.constant 0 : index
    %get3A_154 = vector.load %arg0[%get3A_152, %get3A_153] : memref<10000x128xf32, #tpu.memory_space<vmem>>, vector<1000x128xf32>
    %get3A_155 = arith.constant 9000 : index
    %get3A_156 = arith.constant 0 : index
    %get3A_157 = vector.load %arg1[%get3A_155, %get3A_156] : memref<10000x1xi32, #tpu.memory_space<vmem>>, vector<1000x1xi32>
    %iota3A_158 = tpu.iota {dimensions = array<i32: 1>} : vector<1000x512xi32>
    %eq3A_159 = vector.broadcast %get3A_157 : vector<1000x1xi32> to vector<1000x512xi32>
    %eq3A_160 = arith.cmpi eq, %eq3A_159, %iota3A_158 : vector<1000x512xi32>
    %convert_element_type3A_161 = arith.extui %eq3A_160 : vector<1000x512xi1> to vector<1000x512xi32>
    %convert_element_type3A_162 = arith.sitofp %convert_element_type3A_161 : vector<1000x512xi32> to vector<1000x512xf32>
    %dot_general3A_163 = arith.constant dense<0.000000e+00> : vector<512x128xf32>
    %dot_general3A_164 = tpu.matmul %convert_element_type3A_162, %get3A_154, %dot_general3A_163 {dimension_numbers = #tpu.dot_dimension_numbers<[0], [0], [1], [1], [0, 1, 1, 1], [], []>, transpose_lhs_hint = false} : vector<1000x512xf32>, vector<1000x128xf32>, vector<512x128xf32> -> vector<512x128xf32>
    %add3A_165 = arith.addf %add3A_148, %dot_general3A_164 : vector<512x128xf32>
    %dot_general3A_166 = arith.constant dense<0.000000e+00> : vector<512x1xf32>
    %dot_general3A_167 = tpu.matmul %convert_element_type3A_162, %broadcast_in_dim3A_4, %dot_general3A_166 {dimension_numbers = #tpu.dot_dimension_numbers<[0], [0], [1], [1], [0, 1, 1, 1], [], []>, transpose_lhs_hint = false} : vector<1000x512xf32>, vector<1000x1xf32>, vector<512x1xf32> -> vector<512x1xf32>
    %add3A_168 = arith.addf %add3A_151, %dot_general3A_167 : vector<512x1xf32>
    %jit3A = arith.constant 1.000000e+00 : f32
    %max3A = vector.broadcast %jit3A : f32 to vector<512x1xf32>
    %max3A_169 = arith.maximumf %max3A, %add3A_168 : vector<512x1xf32>
    %div3A = vector.broadcast %max3A_169 : vector<512x1xf32> to vector<512x128xf32>
    %div3A_170 = arith.divf %add3A_165, %div3A : vector<512x128xf32>
    %get3A_171 = arith.constant 0 : index
    %get3A_172 = arith.constant 0 : index
    %get3A_173 = vector.load %arg2[%get3A_171, %get3A_172] : memref<128x128xf32, #tpu.memory_space<vmem>>, vector<128x128xf32>
    %dot_general3A_174 = arith.constant dense<0.000000e+00> : vector<512x128xf32>
    %dot_general3A_175 = tpu.matmul %div3A_170, %get3A_173, %dot_general3A_174 {dimension_numbers = #tpu.dot_dimension_numbers<[1], [0], [0], [1], [0, 0, 1, 1], [], []>, transpose_lhs_hint = false} : vector<512x128xf32>, vector<128x128xf32>, vector<512x128xf32> -> vector<512x128xf32>
    %max3A_176 = arith.constant 0.000000e+00 : f32
    %max3A_177 = vector.broadcast %max3A_176 : f32 to vector<512x128xf32>
    %max3A_178 = arith.maximumf %dot_general3A_175, %max3A_177 : vector<512x128xf32>
    %get3A_179 = arith.constant 0 : index
    %get3A_180 = arith.constant 0 : index
    %get3A_181 = vector.load %arg3[%get3A_179, %get3A_180] : memref<128x16xf32, #tpu.memory_space<vmem>>, vector<128x16xf32>
    %dot_general3A_182 = arith.constant dense<0.000000e+00> : vector<512x16xf32>
    %dot_general3A_183 = tpu.matmul %max3A_178, %get3A_181, %dot_general3A_182 {dimension_numbers = #tpu.dot_dimension_numbers<[1], [0], [0], [1], [0, 0, 1, 1], [], []>, transpose_lhs_hint = false} : vector<512x128xf32>, vector<128x16xf32>, vector<512x16xf32> -> vector<512x16xf32>
    %get3A_184 = arith.constant 0 : index
    %get3A_185 = arith.constant 0 : index
    %get3A_186 = vector.load %arg4[%get3A_184, %get3A_185] : memref<1x16xf32, #tpu.memory_space<vmem>>, vector<1x16xf32>
    %add3A_187 = vector.broadcast %get3A_186 : vector<1x16xf32> to vector<512x16xf32>
    %add3A_188 = arith.addf %dot_general3A_183, %add3A_187 : vector<512x16xf32>
    %reduce_max3A = arith.constant dense<0xFF800000> : vector<512xf32>
    %reduce_max3A_189 = vector.multi_reduction <maximumf>, %add3A_188, %reduce_max3A [1] : vector<512x16xf32> to vector<512xf32>
    %broadcast_in_dim3A_190 = vector.shape_cast %reduce_max3A_189 : vector<512xf32> to vector<512x1xf32>
    %sub3A = vector.broadcast %broadcast_in_dim3A_190 : vector<512x1xf32> to vector<512x16xf32>
    %sub3A_191 = arith.subf %add3A_188, %sub3A : vector<512x16xf32>
    %exp3A = math.exp %sub3A_191 : vector<512x16xf32>
    %reduce_sum3A = arith.constant dense<0.000000e+00> : vector<512xf32>
    %reduce_sum3A_192 = vector.multi_reduction <add>, %exp3A, %reduce_sum3A [1] : vector<512x16xf32> to vector<512xf32>
    %broadcast_in_dim3A_193 = vector.shape_cast %reduce_sum3A_192 : vector<512xf32> to vector<512x1xf32>
    %log3A = math.log %broadcast_in_dim3A_193 : vector<512x1xf32>
    %add3A_194 = arith.addf %log3A, %broadcast_in_dim3A_190 : vector<512x1xf32>
    %sub3A_195 = vector.broadcast %add3A_194 : vector<512x1xf32> to vector<512x16xf32>
    %sub3A_196 = arith.subf %add3A_188, %sub3A_195 : vector<512x16xf32>
    %swap3A = arith.constant 0 : index
    %swap3A_197 = arith.constant 0 : index
    %swap3A_198 = vector.load %arg5[%swap3A, %swap3A_197] : memref<512x16xf32, #tpu.memory_space<vmem>>, vector<512x16xf32>
    tpu.vector_store %arg5[%swap3A, %swap3A_197], %sub3A_196 {strides = array<i32>} : memref<512x16xf32, #tpu.memory_space<vmem>>, vector<512x16xf32>,
    return
  }
}

</mosaic_0001>

<sc_bundles>
// kernel: kernel.12.cloned.1.call-start
scs
__scs_entry_jumppad:
0x0: {  	(pc) =	sbr.rel $0x88, $3  }
0x1: {  	(tag) =	ssettag $0x0;
	lr =	simm.s32 $0x1  }
0x2: {  	[smem:$0x3F8F] =	sst lr;
	_ =	strace $0xD0000000  }
0x3: {  	_ = 	snop  }
0x4: {  	_ = 	snop  }
0x5: {  	_ = 	snop  }
0x6: {  	_ = 	snop  }
0x7: {  	_ = 	snop  }
__scs_overlays_trampoline_lowered:
0x8: {  	[smem:$0x3F9E] =	sst s0  }
0x9: {  	[smem:$0x3F9F] =	sst s1  }
0xa: {  	[smem:$0x3FA0] =	sst s2  }
0xb: {  	[smem:$0x3FA1] =	sst s3  }
0xc: {  	[smem:$0x3FA2] =	sst s4  }
0xd: {  	[smem:$0x3FA3] =	sst s5  }
0xe: {  	[smem:$0x3FA4] =	sst s6  }
0xf: {  	[smem:$0x3FA5] =	sst s7  }
0x10: {  	[smem:$0x3FA6] =	sst s8  }
0x11: {  	[smem:$0x3FA7] =	sst s9;
	s0 =	simm.s32 @!p0 $0x0  }
0x12: {  	s1 =	sld [smem:$0x3F8D];
	s0 =	simm.s32 @p0 $0x1  }
0x13: {  	[smem:$0x3FA8] =	sst s0;
	s0 =	simm.s32 @!p1 $0x0  }
0x14: {  	s2 =	sld [smem:$0x3F8C];
	s0 =	simm.s32 @p1 $0x1  }
0x15: {  	[smem:$0x3FA9] =	sst s0;
	s0 =	simm.s32 @!p2 $0x0  }
0x16: {  	s3 =	sld [smem:$0x3FDB];
	s0 =	simm.s32 @p2 $0x1  }
0x17: {  	s4 =	simm.s32 $0x1BF5;
	[smem:$0x3FAB] =	sst s0  }
0x18: {  	s0 =	sld [smem:$0x3F8E];
	_ =	swait.ge [sflag:s4], $0x0  }
0x19: {  	s7 =	sld [smem:$0x3F8F]  }
0x1a: {  	s8 =	sadd.s32 $0xFFFFE003, lr  }
0x1b: {  	s9 =	sadd.s32 $0xFFFFFEF7, lr;
	s5 =	simm.s32 $0xFFFFFFFF;
	p2 =	slt.u32 s8, $0xFFFFF086  }
0x1c: {  	p1 =	slt.u32 s9, $0xF7A;
	s5 =	simm.s32 @!p2 $0x0  }
0x1d: {  	s5 =	simm.s32 @p1 $0x1;
	p0 =	seq.s32 s7, s2  }
0x1e: {  	s7 =	smul.u32 @!p0 $0xF7A, s2;
	p2 =	seq.s32 @!p0 s5, $0x0  }
0x1f: {  	s9 =	smul.u32 $0xF7A, s1;
	s8 =	simm.s32 @!p0 $0x1BF5;
	p2 =	por !p2, p0  }
0x20: {  	[sflag:s8] =	ssyncset.s32 @!p0 $0xFFFFF086;
	s6 =	sadd.s32 @!p0 s3, s7;
	s7 =	simm.s32 @!p0 $0x108  }
0x21: {  	s3 =	sadd.s32 s3, s9;
	s6 =	sadd.s32 @!p0 $0x88, s6;
	s7 =	simm.s32 @p2 $0x1082  }
0x22: {  	[simem:s7], [sflag:s8] =	dma.local @!p0 [hbm:s6], $0xF7A  }
0x23: {  	s9 =	sor.u32 $0xD0000000, s2;
	s6 =	simm.s32 $0x108;
	_ =	swait.ge @!p0 [sflag:s8], $0x0  }
0x24: {  	s3 =	sadd.s32 $0x88, s3;
	s6 =	simm.s32 @!p1 $0x1082;
	[sflag:s4] =	ssyncset.s32 $0xFFFFF086  }
0x25: {  	[simem:s6], [sflag:s4] =	dma.local [hbm:s3], $0xF7A  }
0x26: {  	[smem:$0x3F8F] =	sst s1;
	(tag) =	ssettag s2;
	_ =	strace s9  }
0x27: {  	s1 =	sld [smem:$0x3F9F]  }
0x28: {  	s2 =	sld [smem:$0x3FA0]  }
0x29: {  	s4 =	sld [smem:$0x3FA2]  }
0x2a: {  	p0 =	seq.s32 s5, $0x0;
	s5 =	sld [smem:$0x3FA3]  }
0x2b: {  	s6 =	sld [smem:$0x3FA4]  }
0x2c: {  	s7 =	sld [smem:$0x3FA5]  }
0x2d: {  	s3 =	simm.s32 $0x108;
	s8 =	sld [smem:$0x3FA6]  }
0x2e: {  	s3 =	simm.s32 @!p0 $0x1082;
	s9 =	sld [smem:$0x3FA7]  }
0x2f: {  	lr =	sadd.s32 s0, s3;
	s0 =	sld [smem:$0x3F9E]  }
0x30: {  	s3 =	sld [smem:$0x3FA1]  }
0x31: {  	[smem:$0x3FAA] =	sst s10  }
0x32: {  	s10 =	sld [smem:$0x3FA8];
	_ =	sdelay $0x3  }
0x33: {  	p0 =	seq.s32 s10, $0x1;
	s10 =	sld [smem:$0x3FAA];
	_ =	sdelay $0x3  }
0x34: {  	[smem:$0x3FAA] =	sst s10  }
0x35: {  	s10 =	sld [smem:$0x3FA9];
	_ =	sdelay $0x3  }
0x36: {  	p1 =	seq.s32 s10, $0x1;
	s10 =	sld [smem:$0x3FAA];
	_ =	sdelay $0x3  }
0x37: {  	[smem:$0x3FAA] =	sst s10  }
0x38: {  	s10 =	sld [smem:$0x3FAB]  }
0x39: {  	_ = 	snop;
	(pc) =	sbr.ind lr, $3  }
0x3a: {  	_ = 	snop  }
0x3b: {  	_ = 	snop  }
0x3c: {  	p2 =	seq.s32 s10, $0x1;
	s10 =	sld [smem:$0x3FAA]  }
0x3d: {  	_ =	shalt  }
0x3e: {  	_ =	shalt  }
0x3f: {  	_ =	shalt  }
0x40: {  	_ =	shalt  }
0x41: {  	_ =	shalt  }
0x42: {  	_ =	shalt  }
0x43: {  	_ =	shalt  }
0x44: {  	_ =	shalt  }
0x45: {  	_ =	shalt  }
0x46: {  	_ =	shalt  }
0x47: {  	_ =	shalt  }
0x48: {  	_ =	shalt  }
0x49: {  	_ =	shalt  }
0x4a: {  	_ =	shalt  }
0x4b: {  	_ =	shalt  }
0x4c: {  	_ =	shalt  }
0x4d: {  	_ =	shalt  }
0x4e: {  	_ =	shalt  }
0x4f: {  	_ =	shalt  }
0x50: {  	_ =	shalt  }
0x51: {  	_ =	shalt  }
0x52: {  	_ =	shalt  }
0x53: {  	_ =	shalt  }
0x54: {  	_ =	shalt  }
0x55: {  	_ =	shalt  }
0x56: {  	_ =	shalt  }
0x57: {  	_ =	shalt  }
0x58: {  	_ =	shalt  }
0x59: {  	_ =	shalt  }
0x5a: {  	_ =	shalt  }
0x5b: {  	_ =	shalt  }
0x5c: {  	_ =	shalt  }
0x5d: {  	_ =	shalt  }
0x5e: {  	_ =	shalt  }
0x5f: {  	_ =	shalt  }
0x60: {  	_ =	shalt  }
0x61: {  	_ =	shalt  }
0x62: {  	_ =	shalt  }
0x63: {  	_ =	shalt  }
0x64: {  	_ =	shalt  }
0x65: {  	_ =	shalt  }
0x66: {  	_ =	shalt  }
0x67: {  	_ =	shalt  }
0x68: {  	_ =	shalt  }
0x69: {  	_ =	shalt  }
0x6a: {  	_ =	shalt  }
0x6b: {  	_ =	shalt  }
0x6c: {  	_ =	shalt  }
0x6d: {  	_ =	shalt  }
0x6e: {  	_ =	shalt  }
0x6f: {  	_ =	shalt  }
0x70: {  	_ =	shalt  }
0x71: {  	_ =	shalt  }
0x72: {  	_ =	shalt  }
0x73: {  	_ =	shalt  }
0x74: {  	_ =	shalt  }
0x75: {  	_ =	shalt  }
0x76: {  	_ =	shalt  }
0x77: {  	_ =	shalt  }
0x78: {  	_ =	shalt  }
0x79: {  	_ =	shalt  }
0x7a: {  	_ =	shalt  }
0x7b: {  	_ =	shalt  }
0x7c: {  	_ =	shalt  }
0x7d: {  	_ =	shalt  }
0x7e: {  	_ =	shalt  }
0x7f: {  	_ =	shalt  }
0x80: {  	_ =	shalt  }
0x81: {  	_ =	shalt  }
0x82: {  	_ =	shalt  }
0x83: {  	_ =	shalt  }
0x84: {  	_ =	shalt  }
0x85: {  	_ =	shalt  }
0x86: {  	_ =	shalt  }
0x87: {  	_ =	shalt  }
.Lfunc_end0:
.L_simem_size_0:
called_computation.1_lowered:
.L_overlay_start_0:
0x88: {  	s2 =	sld [smem:$0x3FD9]  }
0x89: {  	s3 =	sld [smem:$0x3FFE];
	_ =	sdelay $0x1  }
0x8a: {  	s1 =	srdreg.scid  }
0x8b: {  	s0 =	sand.u32 $0x1, s1  }
0x8c: {  	s16 =	sshll.u32 s0, $0xA;
	s2 =	sadd.s32 s3, s2  }
0x8d: {  	s2 =	sadd.s32 s2, s16  }
0x8e: {  	[smem:$0x3FB6] =	sst s2  }
0x8f: {  	_ = 	snop  }
0x90: {  	(tm) =	ssettm $0x1  }
0x91: {  	s17 =	sld [smem:$0x3FFB];
	_ =	sdelay $0x3  }
0x92: {  	_ =	strace s17  }
0x93: {  	s2 =	sld [smem:$0x3FFC];
	_ =	sdelay $0x3  }
0x94: {  	_ =	strace s2  }
0x95: {  	s2 =	sld [smem:$0x3FFD];
	_ =	sdelay $0x3  }
0x96: {  	_ =	strace s2  }
0x97: {  	_ =	strace $0x8FFFFFFF  }
0x98: {  	s18 =	sld [smem:$0x3FDB];
	_ =	sdelay $0x1  }
0x99: {  	s19 =	simm.s32 $_scs_section_size  }
0x9a: {  	s4 =	simm.s32 $_size__tile_overlayer_lowered;
	s5 =	simm.s32 $_tile_overlayer_lowered  }
0x9b: {  	s22 =	simm.s32 $0x1BFF;
	s21 =	sshll.u32 s5, $0x1;
	s2 =	sadd.s32 s19, s18  }
0x9c: {  	s6 =	simm.s32 $0x0;
	s20 =	sshll.u32 s4, $0x1;
	s4 =	sadd.s32 s21, s2  }
0x9d: {  	[timem:s6], [sflag:s22] =	dma.local [hbm:s4], s20  }
0x9e: {  	_ =	swait.ge [sflag:s22], s20  }
0x9f: {  	s3 =	ssub.s32 $0x0, s20;
	[sflag:s22] =	ssyncset.done $0x0  }
0xa0: {  	[sflag:s22] =	ssyncadd.s32 s3;
	_ =	sdelay $0x1  }
0xa1: {  	s23 =	simm.s32 $0x1B8B  }
0xa2: {  	_ =	swait.ge [sflag:s23], $0x1  }
0xa3: {  	[sflag:s23] =	ssyncset.done $0x0  }
0xa4: {  	s25 =	simm.s32 $0x1B8E;
	s24 =	sld [smem:$0x3FFE];
	[sflag:s23] =	ssyncadd.s32 $0xFFFFFFFF  }
0xa5: {  	s26 =	simm.s32 $execute0_lowered;
	[smem:$0x3FD2] =	sst s25  }
0xa6: {  	s4 =	sshll.u32 s26, $0x1;
	_ =	strace $0x80000049;
	[dreg:$0x1] =	wrdreg $0xFFFFFFFF  }
0xa7: {  	s28 =	simm.s32 $_size_execute0_lowered;
	s2 =	sadd.s32 s2, s4;
	[dreg:$0x0] =	wrdreg $0x0  }
0xa8: {  	s4 =	sshll.u32 s28, $0x1;
	[dreg:$0x2] =	wrdreg s2  }
0xa9: {  	[dreg:$0x3] =	wrdreg s4  }
0xaa: {  	[dreg:$0x4] =	wrdreg $0xC0  }
0xab: {  	_ =	task [dreg:s6], $0x5FFFF  }
0xac: {  	[dreg:$0x1] =	wrdreg $0xFFFFFFFF  }
0xad: {  	[dreg:$0x0] =	wrdreg $0x60  }
0xae: {  	[dreg:$0x2] =	wrdreg s24  }
0xaf: {  	[dreg:$0x3] =	wrdreg $0x90000  }
0xb0: {  	[dreg:$0x4] =	wrdreg $0x9  }
0xb1: {  	_ =	task.clear_ibuf [dreg:s6], $0x5FFFF;
	_ =	strace $0x90000049  }
0xb2: {  	s29 =	simm.s32 $0x9;
	_ =	strace $0x8000004B  }
0xb3: {  	_ =	swait.ge [sflag:s29], $0x1  }
0xb4: {  	[sflag:s29] =	ssyncadd.s32 $0xFFFFFFFF  }
0xb5: {  	_ =	strace $0x9000004B  }
0xb6: {  	_ =	sfence  }
0xb7: {  	s30 =	sld [smem:$0x0];
	_ =	sdelay $0x2  }
0xb8: {  	s31 =	sshll.u32 s1, $0xD;
	s1 =	sshrl.u32 s1, $0x2  }
0xb9: {  	s3 =	sand.u32 $0x4000, s31;
	s1 =	sadd.s32 s1, s30  }
0xba: {  	s0 =	sor.u32 s3, s0;
	s1 =	sshll.u32 s1, $0x11  }
0xbb: {  	s0 =	sor.u32 s1, s0  }
0xbc: {  	s0 =	sadd.s32 $0x8F2B, s0  }
0xbd: {  	[sflag:s0] =	ssyncadd.remote.s32 $0x1  }
0xbe: {  	_ =	sfence.sel $0xFFFF  }
0xbf: {  	[dreg:$0x0] =	wrdreg $0xFFFFFFFF;
	(pc) =	sbr.abs _section_cstart, $3  }
0xc0: {  	[dreg:$0x1] =	wrdreg $0xFFFFFFFF  }
0xc1: {  	_ =	task.clear_ibuf [dreg:s6], $0x2FFFF;
	_ =	strace $0x9FFFFFFF  }
0xc2: {  	(tm) =	ssettm $0x7FFFFFFF  }
0xc3: {  	_ =	shalt  }
tec
execute0_lowered:
.L_overlay_start_1:
0x0: {  	(tag) =	ssettag $0x1  }
0x1: {  	s5 =	rddreg [dreg:$0x0]  }
0x2: {  	s1 =	rddreg [dreg:$0x1]  }
0x3: {  	s2 =	srdreg.scid;
	s0 =	rddreg [dreg:$0x2];
	s3 =	simm.s32 $0x0  }
0x4: {  	s11 =	simm.s32 $0x80;
	s12 =	simm.s32 $0x5000;
	s13 =	simm.s32 $0x1  }
0x5: {  	s16 =	simm.s32 $0x0;
	s6 =	sand.u32 $0x1, s2;
	s2 =	stileid.u32  }
0x6: {  	[smem:$0x7FF] =	sst s3;
	s4 =	sadd.s32 $0x17A00, s5;
	s7 =	smul.u32 $0x13C000, s6  }
0x7: {  	s8 =	sshll.u32 s6, $0x4;
	s9 =	smul.u32 $0x13C00, s2;
	_ =	strace $0x8000004A  }
0x8: {  	s6 =	ssub.s32 $0x2, s6;
	s10 =	smul.u32 $0x4F000, s2;
	s14 =	sshll.u32 s2, $0x6  }
0x9: {  	s8 =	sor.u32 s2, s8;
	s30 =	sshrl.u32 s6, $0x1;
	s14 =	sor.u32 $0x1C02, s14  }
0xa: {  	s8 =	smul.u32 $0x500, s8;
	s7 =	sadd.s32 s9, s7;
	s9 =	ssub.s32 s6, s30  }
0xb: {  	s31 =	sshrl.u32 s10, $0x2;
	s10 =	simm.s32 $0x2800;
	s7 =	sshrl.u32 s7, $0x3  }
0xc: {  	s15 =	sadd.s32 s31, s1;
	s8 =	sadd.s32 s8, s5;
	s7 =	sadd.s32 s7, s5  }
0xd: {  	s15 =	sshrl.u32 s15, $0x3;
	s5 =	sadd.s32 $0x3A00, s8;
	s6 =	sadd.s32 $0xDA00, s8  }
0xe: {  	v0 =	vimm.f32 $0.0e+00;
	s7 =	sadd.s32 $0x3EC00, s7;
	s8 =	smax.u32 s9, $0x1;
	s9 =	simm.s32 $0x2  }
.LBB2_1:
0xf: {  	[tilespmem:s3], [sflag:$0x2] =	stream.linear.gather [hbm4b:s5+s3], $0x2780, $0x38;
	[tilespmem:$0x1CC00] =	vst v63  }
0x10: {  	_ =	swait.ge [sflag:s9], $0x2780  }
0x11: {  	[sflag:s9] =	ssyncset.done $0x0  }
0x12: {  	[sflag:s9] =	ssyncadd.s32 $0xFFFFD880  }
0x13: {  	[tilespmem:s10], [sflag:$0x2] =	stream.linear.gather [hbm4b:s6+s3], $0x2780, $0x38;
	[tilespmem:$0x1CC00] =	vst v63  }
0x14: {  	_ =	swait.ge [sflag:s9], $0x2780  }
0x15: {  	[sflag:s9] =	ssyncset.done $0x0  }
0x16: {  	s17 =	simm.s32 $0x0;
	s18 =	simm.s32 $0x200;
	[sflag:s9] =	ssyncadd.s32 $0xFFFFD880  }
.LBB2_2:
0x17: {  	p0 =	sne.s32 s18, $0xFE00;
	[tilespmem:s17+$0x5070] =	vst v0  }
0x18: {  	[tilespmem:s17+$0x5000] =	vst v0  }
0x19: {  	[tilespmem:s17+$0x5010] =	vst v0  }
.Ltmp0:
0x1a: {  	[tilespmem:s17+$0x5020] =	vst v0;
	(pc) =	sbr.rel @p0 .LBB2_2-.Ltmp0, $4  }
0x1b: {  	[tilespmem:s17+$0x5030] =	vst v0  }
0x1c: {  	[tilespmem:s17+$0x5040] =	vst v0  }
0x1d: {  	[tilespmem:s17+$0x5050] =	vst v0  }
0x1e: {  	[tilespmem:s17+$0x5060] =	vst v0;
	s17 =	sshra.s32 s18, $0x2;
	s18 =	sadd.s32 $0x200, s18  }
0x1f: {  	[tilespmem:s17+$0x5070] =	vst v0  }
0x20: {  	[tilespmem:s17+$0x5000] =	vst v0  }
0x21: {  	[tilespmem:s17+$0x5010] =	vst v0  }
0x22: {  	[tilespmem:s17+$0x5020] =	vst v0  }
0x23: {  	[tilespmem:s17+$0x5030] =	vst v0;
	s18 =	simm.s32 $0x0  }
0x24: {  	[tilespmem:s17+$0x5040] =	vst v0;
	s18 =	sand.u32 $0xF, s18  }
0x25: {  	[tilespmem:s17+$0x5050] =	vst v0;
	p0 =	sne.s32 s18, s2  }
0x26: {  	[tilespmem:s17+$0x5060] =	vst v0;
	s17 =	simm.s32 @!p0 $0x5000;
	s20 =	simm.s32 @!p0 $0x2  }
0x27: {  	[spmem:s1] =	stream.linear.scatter @!p0 [tilespmem:s17], [sflag:$0x2], $0x4000, $0x38;
	[tilespmem:$0x1CC00] =	vst v63  }
0x28: {  	s19 =	simm.s32 $0x2;
	_ =	swait.ge @!p0 [sflag:s20], $0x4000  }
0x29: {  	s18 =	simm.s32 $0x1;
	s17 =	sadd.s32 $0x4000, s1;
	[sflag:s20] =	ssyncset.done @!p0 $0x0  }
.LBB2_4:
0x2a: {  	s21 =	sand.u32 $0xF, s18;
	s18 =	smov.u32 s19;
	s19 =	sadd.s32 $0x1, s19  }
0x2b: {  	[sflag:s20] =	ssyncadd.s32 @!p0 $0xFFFFC000;
	p1 =	sne.s32 s19, $0x4F  }
.Ltmp1:
0x2c: {  	p0 =	sne.s32 s21, s2;
	(pc) =	sbr.rel @p1 .LBB2_4-.Ltmp1, $4  }
0x2d: {  	s21 =	simm.s32 @!p0 $0x5000;
	s20 =	simm.s32 @!p0 $0x2  }
0x2e: {  	[spmem:s17] =	stream.linear.scatter @!p0 [tilespmem:s21], [sflag:$0x2], $0x4000, $0x38;
	[tilespmem:$0x1CC00] =	vst v63  }
0x2f: {  	_ =	swait.ge @!p0 [sflag:s20], $0x4000  }
0x30: {  	s17 =	sadd.s32 $0x4000, s17;
	[sflag:s20] =	ssyncset.done @!p0 $0x0  }
0x31: {  	s18 =	sand.u32 $0xF, s18  }
0x32: {  	p1 =	sne.s32 s18, s2  }
0x33: {  	[sflag:s20] =	ssyncadd.s32 @!p0 $0xFFFFC000;
	s18 =	simm.s32 @!p1 $0x5000;
	s19 =	simm.s32 @!p1 $0x2  }
0x34: {  	[spmem:s17] =	stream.linear.scatter @!p1 [tilespmem:s18], [sflag:$0x2], $0x4000, $0x38;
	[tilespmem:$0x1CC00] =	vst v63  }
0x35: {  	_ =	swait.ge @!p1 [sflag:s19], $0x4000  }
0x36: {  	[sflag:s19] =	ssyncset.done @!p1 $0x0  }
0x37: {  	[sflag:s19] =	ssyncadd.s32 @!p1 $0xFFFFC000  }
0x38: {  	s30 =	simm.s32 $0x0;
	[bflag:$0x0] =	sbarrier.arrive $0xFFFF  }
0x39: {  	[tilespmem:s12], [sflag:$0x1] =	stream.indirect.gather [hbm4b:s4+s11], $0x80, s30, s11, $0xb8;
	[tilespmem:$0x1CC00] =	vst v63  }
0x3a: {  	_ =	swait.ge [sflag:s13], $0x4000  }
0x3b: {  	[sflag:s13] =	ssyncset.done $0x0  }
0x3c: {  	s31 =	simm.s32 $0x2800;
	[sflag:s13] =	ssyncadd.s32 $0xFFFFC000  }
0x3d: {  	[spmem:s1] =	stream.indirect.scatter.add.f32 [tilespmem:s12], [sflag:$0x2], $0x80, s31, s11, $0xb8;
	[tilespmem:$0x1CC00] =	vst v63  }
0x3e: {  	_ =	swait.ge [sflag:s9], $0x4000  }
0x3f: {  	s17 =	simm.s32 $0x200;
	s18 =	simm.s32 $0x400;
	[sflag:s9] =	ssyncset.done $0x0  }
.LBB2_6:
0x40: {  	s19 =	sshra.s32 s17, $0x2  }
0x41: {  	[sflag:s9] =	ssyncadd.s32 $0xFFFFC000;
	s17 =	smov.u32 s18;
	s20 =	sadd.s32 $0x200, s18  }
0x42: {  	[tilespmem:s12], [sflag:$0x1] =	stream.indirect.gather [hbm4b:s4+s11], $0x80, s19, s11, $0xb8;
	[tilespmem:$0x1CC00] =	vst v63  }
0x43: {  	p0 =	sne.s32 s18, $0x9C00;
	_ =	swait.ge [sflag:s13], $0x4000  }
.Ltmp2:
0x44: {  	[sflag:s13] =	ssyncset.done $0x0;
	(pc) =	sbr.rel @p0 .LBB2_6-.Ltmp2, $4  }
0x45: {  	s18 =	sadd.s32 $0x2800, s19;
	[sflag:s13] =	ssyncadd.s32 $0xFFFFC000  }
0x46: {  	[spmem:s1] =	stream.indirect.scatter.add.f32 [tilespmem:s12], [sflag:$0x2], $0x80, s18, s11, $0xb8;
	[tilespmem:$0x1CC00] =	vst v63  }
0x47: {  	_ =	swait.ge [sflag:s9], $0x4000  }
0x48: {  	s18 =	smov.u32 s20;
	[sflag:s9] =	ssyncset.done $0x0  }
0x49: {  	s17 =	sshra.s32 s17, $0x2;
	[sflag:s9] =	ssyncadd.s32 $0xFFFFC000  }
0x4a: {  	[tilespmem:s12], [sflag:$0x1] =	stream.indirect.gather [hbm4b:s4+s11], $0x80, s17, s11, $0xb8;
	[tilespmem:$0x1CC00] =	vst v63  }
0x4b: {  	_ =	swait.ge [sflag:s13], $0x4000  }
0x4c: {  	[sflag:s13] =	ssyncset.done $0x0  }
0x4d: {  	s17 =	sadd.s32 $0x2800, s17;
	[sflag:s13] =	ssyncadd.s32 $0xFFFFC000  }
0x4e: {  	[spmem:s1] =	stream.indirect.scatter.add.f32 [tilespmem:s12], [sflag:$0x2], $0x80, s17, s11, $0xb8;
	[tilespmem:$0x1CC00] =	vst v63  }
0x4f: {  	_ =	swait.ge [sflag:s9], $0x4000  }
0x50: {  	s16 =	sadd.s32 $0x1, s16;
	[sflag:s9] =	ssyncset.done $0x0  }
0x51: {  	p0 =	sne.s32 s16, s8;
	[sflag:s9] =	ssyncadd.s32 $0xFFFFC000  }
.Ltmp3:
0x52: {  	[bflag:$0x0] =	sbarrier.arrive $0xFFFF;
	(pc) =	sbr.rel @p0 .LBB2_1-.Ltmp3, $4  }
0x53: {  	[hbm:s7], [sflag:s14] =	dma.local [spmem:s15], $0x2780  }
0x54: {  	_ =	swait.ge [sflag:s9], $0x2780  }
0x55: {  	[sflag:s9] =	ssyncset.done $0x0  }
0x56: {  	[sflag:s9] =	ssyncadd.s32 $0xFFFFD880  }
0x57: {  	_ =	sfence.sel $0x180000  }
0x58: {  	[bflag:$0x0] =	sbarrier.arrive $0xFFFF  }
0x59: {  	p0 =	sne.s32 s2, $0x0;
	_ =	strace $0x9000004A  }
0x5a: {  	s0 =	sadd.s32 @!p0 $0x100000, s0;
	[bflag:$0x2] =	sbarrier.arrive $0xFFFF  }
0x5b: {  	[sflag:s0] =	ssyncadd.tile.s32 @!p0 $0x1;
	_ =	shalt  }
.Lfunc_end2:
_tile_overlayer_lowered:
.L_overlay_start_2:
0x5c: {  	(tag) =	ssettag $0x2  }
0x5d: {  	s0 =	rddreg [dreg:$0x0];
	s2 =	stileid.u32  }
0x5e: {  	s1 =	rddreg [dreg:$0x1];
	p0 =	sne.s32 s2, $0x0  }
0x5f: {  	s3 =	rddreg [dreg:$0x2];
	[bflag:$0x3] =	sbarrier.arrive $0xFFFF;
	s2 =	simm.s32 @!p0 $0x1C02  }
0x60: {  	[timem:s3], [sflag:s2] =	dma.local @!p0 [hbm:s0], s1  }
0x61: {  	s0 =	simm.s32 @!p0 $0x2  }
0x62: {  	_ =	swait.ge @!p0 [sflag:s0], s1  }
0x63: {  	s1 =	ssub.s32 @!p0 $0x0, s1;
	[sflag:s0] =	ssyncset.done @!p0 $0x0  }
0x64: {  	[sflag:s0] =	ssyncadd.s32 @!p0 s1  }
0x65: {  	[bflag:$0x3] =	sbarrier.arrive $0xFFFF  }
0x66: {  	_ =	shalt  }

// kernel: kernel.15.cloned.1.call-start
scs
__scs_entry_jumppad:
0x0: {  	(pc) =	sbr.rel $0x88, $3  }
0x1: {  	(tag) =	ssettag $0x0;
	lr =	simm.s32 $0x1  }
0x2: {  	[smem:$0x3F8F] =	sst lr;
	_ =	strace $0xD0000000  }
0x3: {  	_ = 	snop  }
0x4: {  	_ = 	snop  }
0x5: {  	_ = 	snop  }
0x6: {  	_ = 	snop  }
0x7: {  	_ = 	snop  }
__scs_overlays_trampoline_lowered:
0x8: {  	[smem:$0x3F9E] =	sst s0  }
0x9: {  	[smem:$0x3F9F] =	sst s1  }
0xa: {  	[smem:$0x3FA0] =	sst s2  }
0xb: {  	[smem:$0x3FA1] =	sst s3  }
0xc: {  	[smem:$0x3FA2] =	sst s4  }
0xd: {  	[smem:$0x3FA3] =	sst s5  }
0xe: {  	[smem:$0x3FA4] =	sst s6  }
0xf: {  	[smem:$0x3FA5] =	sst s7  }
0x10: {  	[smem:$0x3FA6] =	sst s8  }
0x11: {  	[smem:$0x3FA7] =	sst s9;
	s0 =	simm.s32 @!p0 $0x0  }
0x12: {  	s1 =	sld [smem:$0x3F8D];
	s0 =	simm.s32 @p0 $0x1  }
0x13: {  	[smem:$0x3FA8] =	sst s0;
	s0 =	simm.s32 @!p1 $0x0  }
0x14: {  	s2 =	sld [smem:$0x3F8C];
	s0 =	simm.s32 @p1 $0x1  }
0x15: {  	[smem:$0x3FA9] =	sst s0;
	s0 =	simm.s32 @!p2 $0x0  }
0x16: {  	s3 =	sld [smem:$0x3FDB];
	s0 =	simm.s32 @p2 $0x1  }
0x17: {  	s4 =	simm.s32 $0x1BF5;
	[smem:$0x3FAB] =	sst s0  }
0x18: {  	s0 =	sld [smem:$0x3F8E];
	_ =	swait.ge [sflag:s4], $0x0  }
0x19: {  	s7 =	sld [smem:$0x3F8F]  }
0x1a: {  	s8 =	sadd.s32 $0xFFFFE003, lr  }
0x1b: {  	s9 =	sadd.s32 $0xFFFFFEF7, lr;
	s5 =	simm.s32 $0xFFFFFFFF;
	p2 =	slt.u32 s8, $0xFFFFF086  }
0x1c: {  	p1 =	slt.u32 s9, $0xF7A;
	s5 =	simm.s32 @!p2 $0x0  }
0x1d: {  	s5 =	simm.s32 @p1 $0x1;
	p0 =	seq.s32 s7, s2  }
0x1e: {  	s7 =	smul.u32 @!p0 $0xF7A, s2;
	p2 =	seq.s32 @!p0 s5, $0x0  }
0x1f: {  	s9 =	smul.u32 $0xF7A, s1;
	s8 =	simm.s32 @!p0 $0x1BF5;
	p2 =	por !p2, p0  }
0x20: {  	[sflag:s8] =	ssyncset.s32 @!p0 $0xFFFFF086;
	s6 =	sadd.s32 @!p0 s3, s7;
	s7 =	simm.s32 @!p0 $0x108  }
0x21: {  	s3 =	sadd.s32 s3, s9;
	s6 =	sadd.s32 @!p0 $0x88, s6;
	s7 =	simm.s32 @p2 $0x1082  }
0x22: {  	[simem:s7], [sflag:s8] =	dma.local @!p0 [hbm:s6], $0xF7A  }
0x23: {  	s9 =	sor.u32 $0xD0000000, s2;
	s6 =	simm.s32 $0x108;
	_ =	swait.ge @!p0 [sflag:s8], $0x0  }
0x24: {  	s3 =	sadd.s32 $0x88, s3;
	s6 =	simm.s32 @!p1 $0x1082;
	[sflag:s4] =	ssyncset.s32 $0xFFFFF086  }
0x25: {  	[simem:s6], [sflag:s4] =	dma.local [hbm:s3], $0xF7A  }
0x26: {  	[smem:$0x3F8F] =	sst s1;
	(tag) =	ssettag s2;
	_ =	strace s9  }
0x27: {  	s1 =	sld [smem:$0x3F9F]  }
0x28: {  	s2 =	sld [smem:$0x3FA0]  }
0x29: {  	s4 =	sld [smem:$0x3FA2]  }
0x2a: {  	p0 =	seq.s32 s5, $0x0;
	s5 =	sld [smem:$0x3FA3]  }
0x2b: {  	s6 =	sld [smem:$0x3FA4]  }
0x2c: {  	s7 =	sld [smem:$0x3FA5]  }
0x2d: {  	s3 =	simm.s32 $0x108;
	s8 =	sld [smem:$0x3FA6]  }
0x2e: {  	s3 =	simm.s32 @!p0 $0x1082;
	s9 =	sld [smem:$0x3FA7]  }
0x2f: {  	lr =	sadd.s32 s0, s3;
	s0 =	sld [smem:$0x3F9E]  }
0x30: {  	s3 =	sld [smem:$0x3FA1]  }
0x31: {  	[smem:$0x3FAA] =	sst s10  }
0x32: {  	s10 =	sld [smem:$0x3FA8];
	_ =	sdelay $0x3  }
0x33: {  	p0 =	seq.s32 s10, $0x1;
	s10 =	sld [smem:$0x3FAA];
	_ =	sdelay $0x3  }
0x34: {  	[smem:$0x3FAA] =	sst s10  }
0x35: {  	s10 =	sld [smem:$0x3FA9];
	_ =	sdelay $0x3  }
0x36: {  	p1 =	seq.s32 s10, $0x1;
	s10 =	sld [smem:$0x3FAA];
	_ =	sdelay $0x3  }
0x37: {  	[smem:$0x3FAA] =	sst s10  }
0x38: {  	s10 =	sld [smem:$0x3FAB]  }
0x39: {  	_ = 	snop;
	(pc) =	sbr.ind lr, $3  }
0x3a: {  	_ = 	snop  }
0x3b: {  	_ = 	snop  }
0x3c: {  	p2 =	seq.s32 s10, $0x1;
	s10 =	sld [smem:$0x3FAA]  }
0x3d: {  	_ =	shalt  }
0x3e: {  	_ =	shalt  }
0x3f: {  	_ =	shalt  }
0x40: {  	_ =	shalt  }
0x41: {  	_ =	shalt  }
0x42: {  	_ =	shalt  }
0x43: {  	_ =	shalt  }
0x44: {  	_ =	shalt  }
0x45: {  	_ =	shalt  }
0x46: {  	_ =	shalt  }
0x47: {  	_ =	shalt  }
0x48: {  	_ =	shalt  }
0x49: {  	_ =	shalt  }
0x4a: {  	_ =	shalt  }
0x4b: {  	_ =	shalt  }
0x4c: {  	_ =	shalt  }
0x4d: {  	_ =	shalt  }
0x4e: {  	_ =	shalt  }
0x4f: {  	_ =	shalt  }
0x50: {  	_ =	shalt  }
0x51: {  	_ =	shalt  }
0x52: {  	_ =	shalt  }
0x53: {  	_ =	shalt  }
0x54: {  	_ =	shalt  }
0x55: {  	_ =	shalt  }
0x56: {  	_ =	shalt  }
0x57: {  	_ =	shalt  }
0x58: {  	_ =	shalt  }
0x59: {  	_ =	shalt  }
0x5a: {  	_ =	shalt  }
0x5b: {  	_ =	shalt  }
0x5c: {  	_ =	shalt  }
0x5d: {  	_ =	shalt  }
0x5e: {  	_ =	shalt  }
0x5f: {  	_ =	shalt  }
0x60: {  	_ =	shalt  }
0x61: {  	_ =	shalt  }
0x62: {  	_ =	shalt  }
0x63: {  	_ =	shalt  }
0x64: {  	_ =	shalt  }
0x65: {  	_ =	shalt  }
0x66: {  	_ =	shalt  }
0x67: {  	_ =	shalt  }
0x68: {  	_ =	shalt  }
0x69: {  	_ =	shalt  }
0x6a: {  	_ =	shalt  }
0x6b: {  	_ =	shalt  }
0x6c: {  	_ =	shalt  }
0x6d: {  	_ =	shalt  }
0x6e: {  	_ =	shalt  }
0x6f: {  	_ =	shalt  }
0x70: {  	_ =	shalt  }
0x71: {  	_ =	shalt  }
0x72: {  	_ =	shalt  }
0x73: {  	_ =	shalt  }
0x74: {  	_ =	shalt  }
0x75: {  	_ =	shalt  }
0x76: {  	_ =	shalt  }
0x77: {  	_ =	shalt  }
0x78: {  	_ =	shalt  }
0x79: {  	_ =	shalt  }
0x7a: {  	_ =	shalt  }
0x7b: {  	_ =	shalt  }
0x7c: {  	_ =	shalt  }
0x7d: {  	_ =	shalt  }
0x7e: {  	_ =	shalt  }
0x7f: {  	_ =	shalt  }
0x80: {  	_ =	shalt  }
0x81: {  	_ =	shalt  }
0x82: {  	_ =	shalt  }
0x83: {  	_ =	shalt  }
0x84: {  	_ =	shalt  }
0x85: {  	_ =	shalt  }
0x86: {  	_ =	shalt  }
0x87: {  	_ =	shalt  }
.Lfunc_end0:
.L_simem_size_0:
called_computation.2_lowered:
.L_overlay_start_0:
0x88: {  	s2 =	sld [smem:$0x3FD9]  }
0x89: {  	s3 =	sld [smem:$0x3FFE];
	_ =	sdelay $0x1  }
0x8a: {  	s1 =	srdreg.scid  }
0x8b: {  	s0 =	sand.u32 $0x1, s1  }
0x8c: {  	s16 =	sshll.u32 s0, $0xA;
	s2 =	sadd.s32 s3, s2  }
0x8d: {  	s2 =	sadd.s32 s2, s16  }
0x8e: {  	[smem:$0x3FB6] =	sst s2  }
0x8f: {  	_ = 	snop  }
0x90: {  	(tm) =	ssettm $0x1  }
0x91: {  	s17 =	sld [smem:$0x3FFB];
	_ =	sdelay $0x3  }
0x92: {  	_ =	strace s17  }
0x93: {  	s2 =	sld [smem:$0x3FFC];
	_ =	sdelay $0x3  }
0x94: {  	_ =	strace s2  }
0x95: {  	s2 =	sld [smem:$0x3FFD];
	_ =	sdelay $0x3  }
0x96: {  	_ =	strace s2  }
0x97: {  	_ =	strace $0x8FFFFFFF  }
0x98: {  	s18 =	sld [smem:$0x3FDB];
	_ =	sdelay $0x1  }
0x99: {  	s19 =	simm.s32 $_scs_section_size  }
0x9a: {  	s4 =	simm.s32 $_size__tile_overlayer_lowered;
	s5 =	simm.s32 $_tile_overlayer_lowered  }
0x9b: {  	s22 =	simm.s32 $0x1BFF;
	s21 =	sshll.u32 s5, $0x1;
	s2 =	sadd.s32 s19, s18  }
0x9c: {  	s6 =	simm.s32 $0x0;
	s20 =	sshll.u32 s4, $0x1;
	s4 =	sadd.s32 s21, s2  }
0x9d: {  	[timem:s6], [sflag:s22] =	dma.local [hbm:s4], s20  }
0x9e: {  	_ =	swait.ge [sflag:s22], s20  }
0x9f: {  	s3 =	ssub.s32 $0x0, s20;
	[sflag:s22] =	ssyncset.done $0x0  }
0xa0: {  	[sflag:s22] =	ssyncadd.s32 s3;
	_ =	sdelay $0x1  }
0xa1: {  	s23 =	simm.s32 $0x1B8B  }
0xa2: {  	_ =	swait.ge [sflag:s23], $0x1  }
0xa3: {  	[sflag:s23] =	ssyncset.done $0x0  }
0xa4: {  	s25 =	simm.s32 $0x1B8E;
	s24 =	sld [smem:$0x3FFE];
	[sflag:s23] =	ssyncadd.s32 $0xFFFFFFFF  }
0xa5: {  	s26 =	simm.s32 $execute0_lowered;
	[smem:$0x3FD2] =	sst s25  }
0xa6: {  	s4 =	sshll.u32 s26, $0x1;
	_ =	strace $0x8000004C;
	[dreg:$0x1] =	wrdreg $0xFFFFFFFF  }
0xa7: {  	s28 =	simm.s32 $_size_execute0_lowered;
	s2 =	sadd.s32 s2, s4;
	[dreg:$0x0] =	wrdreg $0x0  }
0xa8: {  	s4 =	sshll.u32 s28, $0x1;
	[dreg:$0x2] =	wrdreg s2  }
0xa9: {  	[dreg:$0x3] =	wrdreg s4  }
0xaa: {  	[dreg:$0x4] =	wrdreg $0xC0  }
0xab: {  	_ =	task [dreg:s6], $0x5FFFF  }
0xac: {  	[dreg:$0x1] =	wrdreg $0xFFFFFFFF  }
0xad: {  	[dreg:$0x0] =	wrdreg $0x60  }
0xae: {  	[dreg:$0x2] =	wrdreg s24  }
0xaf: {  	[dreg:$0x3] =	wrdreg $0x90000  }
0xb0: {  	[dreg:$0x4] =	wrdreg $0x9  }
0xb1: {  	_ =	task.clear_ibuf [dreg:s6], $0x5FFFF;
	_ =	strace $0x9000004C  }
0xb2: {  	s29 =	simm.s32 $0x9;
	_ =	strace $0x8000004E  }
0xb3: {  	_ =	swait.ge [sflag:s29], $0x1  }
0xb4: {  	[sflag:s29] =	ssyncadd.s32 $0xFFFFFFFF  }
0xb5: {  	_ =	strace $0x9000004E  }
0xb6: {  	_ =	sfence  }
0xb7: {  	s30 =	sld [smem:$0x0];
	_ =	sdelay $0x2  }
0xb8: {  	s31 =	sshll.u32 s1, $0xD;
	s1 =	sshrl.u32 s1, $0x2  }
0xb9: {  	s3 =	sand.u32 $0x4000, s31;
	s1 =	sadd.s32 s1, s30  }
0xba: {  	s0 =	sor.u32 s3, s0;
	s1 =	sshll.u32 s1, $0x11  }
0xbb: {  	s0 =	sor.u32 s1, s0  }
0xbc: {  	s0 =	sadd.s32 $0x8F2B, s0  }
0xbd: {  	[sflag:s0] =	ssyncadd.remote.s32 $0x1  }
0xbe: {  	_ =	sfence.sel $0xFFFF  }
0xbf: {  	[dreg:$0x0] =	wrdreg $0xFFFFFFFF;
	(pc) =	sbr.abs _section_cstart, $3  }
0xc0: {  	[dreg:$0x1] =	wrdreg $0xFFFFFFFF  }
0xc1: {  	_ =	task.clear_ibuf [dreg:s6], $0x2FFFF;
	_ =	strace $0x9FFFFFFF  }
0xc2: {  	(tm) =	ssettm $0x7FFFFFFF  }
0xc3: {  	_ =	shalt  }
tec
execute0_lowered:
.L_overlay_start_1:
0x0: {  	(tag) =	ssettag $0x1  }
0x1: {  	s5 =	rddreg [dreg:$0x0]  }
0x2: {  	s1 =	rddreg [dreg:$0x1]  }
0x3: {  	s2 =	srdreg.scid;
	s0 =	rddreg [dreg:$0x2];
	s3 =	simm.s32 $0x0  }
0x4: {  	s11 =	simm.s32 $0x80;
	s12 =	simm.s32 $0x5000;
	s13 =	simm.s32 $0x1  }
0x5: {  	s16 =	simm.s32 $0x0;
	s6 =	sand.u32 $0x1, s2;
	s2 =	stileid.u32  }
0x6: {  	[smem:$0x7FF] =	sst s3;
	s4 =	sadd.s32 $0x17A00, s5;
	s7 =	smul.u32 $0x13C000, s6  }
0x7: {  	s8 =	sshll.u32 s6, $0x4;
	s9 =	smul.u32 $0x13C00, s2;
	_ =	strace $0x8000004D  }
0x8: {  	s6 =	ssub.s32 $0x2, s6;
	s10 =	smul.u32 $0x4F000, s2;
	s14 =	sshll.u32 s2, $0x6  }
0x9: {  	s8 =	sor.u32 s2, s8;
	s30 =	sshrl.u32 s6, $0x1;
	s14 =	sor.u32 $0x1C02, s14  }
0xa: {  	s8 =	smul.u32 $0x500, s8;
	s7 =	sadd.s32 s9, s7;
	s9 =	ssub.s32 s6, s30  }
0xb: {  	s31 =	sshrl.u32 s10, $0x2;
	s10 =	simm.s32 $0x2800;
	s7 =	sshrl.u32 s7, $0x3  }
0xc: {  	s15 =	sadd.s32 s31, s1;
	s8 =	sadd.s32 s8, s5;
	s7 =	sadd.s32 s7, s5  }
0xd: {  	s15 =	sshrl.u32 s15, $0x3;
	s5 =	sadd.s32 $0x3A00, s8;
	s6 =	sadd.s32 $0xDA00, s8  }
0xe: {  	v0 =	vimm.f32 $0.0e+00;
	s7 =	sadd.s32 $0x3EC00, s7;
	s8 =	smax.u32 s9, $0x1;
	s9 =	simm.s32 $0x2  }
.LBB2_1:
0xf: {  	[tilespmem:s3], [sflag:$0x2] =	stream.linear.gather [hbm4b:s5+s3], $0x2780, $0x38;
	[tilespmem:$0x1CC00] =	vst v63  }
0x10: {  	_ =	swait.ge [sflag:s9], $0x2780  }
0x11: {  	[sflag:s9] =	ssyncset.done $0x0  }
0x12: {  	[sflag:s9] =	ssyncadd.s32 $0xFFFFD880  }
0x13: {  	[tilespmem:s10], [sflag:$0x2] =	stream.linear.gather [hbm4b:s6+s3], $0x2780, $0x38;
	[tilespmem:$0x1CC00] =	vst v63  }
0x14: {  	_ =	swait.ge [sflag:s9], $0x2780  }
0x15: {  	[sflag:s9] =	ssyncset.done $0x0  }
0x16: {  	s17 =	simm.s32 $0x0;
	s18 =	simm.s32 $0x200;
	[sflag:s9] =	ssyncadd.s32 $0xFFFFD880  }
.LBB2_2:
0x17: {  	p0 =	sne.s32 s18, $0xFE00;
	[tilespmem:s17+$0x5070] =	vst v0  }
0x18: {  	[tilespmem:s17+$0x5000] =	vst v0  }
0x19: {  	[tilespmem:s17+$0x5010] =	vst v0  }
.Ltmp0:
0x1a: {  	[tilespmem:s17+$0x5020] =	vst v0;
	(pc) =	sbr.rel @p0 .LBB2_2-.Ltmp0, $4  }
0x1b: {  	[tilespmem:s17+$0x5030] =	vst v0  }
0x1c: {  	[tilespmem:s17+$0x5040] =	vst v0  }
0x1d: {  	[tilespmem:s17+$0x5050] =	vst v0  }
0x1e: {  	[tilespmem:s17+$0x5060] =	vst v0;
	s17 =	sshra.s32 s18, $0x2;
	s18 =	sadd.s32 $0x200, s18  }
0x1f: {  	[tilespmem:s17+$0x5070] =	vst v0  }
0x20: {  	[tilespmem:s17+$0x5000] =	vst v0  }
0x21: {  	[tilespmem:s17+$0x5010] =	vst v0  }
0x22: {  	[tilespmem:s17+$0x5020] =	vst v0  }
0x23: {  	[tilespmem:s17+$0x5030] =	vst v0;
	s18 =	simm.s32 $0x0  }
0x24: {  	[tilespmem:s17+$0x5040] =	vst v0;
	s18 =	sand.u32 $0xF, s18  }
0x25: {  	[tilespmem:s17+$0x5050] =	vst v0;
	p0 =	sne.s32 s18, s2  }
0x26: {  	[tilespmem:s17+$0x5060] =	vst v0;
	s17 =	simm.s32 @!p0 $0x5000;
	s20 =	simm.s32 @!p0 $0x2  }
0x27: {  	[spmem:s1] =	stream.linear.scatter @!p0 [tilespmem:s17], [sflag:$0x2], $0x4000, $0x38;
	[tilespmem:$0x1CC00] =	vst v63  }
0x28: {  	s19 =	simm.s32 $0x2;
	_ =	swait.ge @!p0 [sflag:s20], $0x4000  }
0x29: {  	s18 =	simm.s32 $0x1;
	s17 =	sadd.s32 $0x4000, s1;
	[sflag:s20] =	ssyncset.done @!p0 $0x0  }
.LBB2_4:
0x2a: {  	s21 =	sand.u32 $0xF, s18;
	s18 =	smov.u32 s19;
	s19 =	sadd.s32 $0x1, s19  }
0x2b: {  	[sflag:s20] =	ssyncadd.s32 @!p0 $0xFFFFC000;
	p1 =	sne.s32 s19, $0x4F  }
.Ltmp1:
0x2c: {  	p0 =	sne.s32 s21, s2;
	(pc) =	sbr.rel @p1 .LBB2_4-.Ltmp1, $4  }
0x2d: {  	s21 =	simm.s32 @!p0 $0x5000;
	s20 =	simm.s32 @!p0 $0x2  }
0x2e: {  	[spmem:s17] =	stream.linear.scatter @!p0 [tilespmem:s21], [sflag:$0x2], $0x4000, $0x38;
	[tilespmem:$0x1CC00] =	vst v63  }
0x2f: {  	_ =	swait.ge @!p0 [sflag:s20], $0x4000  }
0x30: {  	s17 =	sadd.s32 $0x4000, s17;
	[sflag:s20] =	ssyncset.done @!p0 $0x0  }
0x31: {  	s18 =	sand.u32 $0xF, s18  }
0x32: {  	p1 =	sne.s32 s18, s2  }
0x33: {  	[sflag:s20] =	ssyncadd.s32 @!p0 $0xFFFFC000;
	s18 =	simm.s32 @!p1 $0x5000;
	s19 =	simm.s32 @!p1 $0x2  }
0x34: {  	[spmem:s17] =	stream.linear.scatter @!p1 [tilespmem:s18], [sflag:$0x2], $0x4000, $0x38;
	[tilespmem:$0x1CC00] =	vst v63  }
0x35: {  	_ =	swait.ge @!p1 [sflag:s19], $0x4000  }
0x36: {  	[sflag:s19] =	ssyncset.done @!p1 $0x0  }
0x37: {  	[sflag:s19] =	ssyncadd.s32 @!p1 $0xFFFFC000  }
0x38: {  	s30 =	simm.s32 $0x0;
	[bflag:$0x0] =	sbarrier.arrive $0xFFFF  }
0x39: {  	[tilespmem:s12], [sflag:$0x1] =	stream.indirect.gather [hbm4b:s4+s11], $0x80, s30, s11, $0xb8;
	[tilespmem:$0x1CC00] =	vst v63  }
0x3a: {  	_ =	swait.ge [sflag:s13], $0x4000  }
0x3b: {  	[sflag:s13] =	ssyncset.done $0x0  }
0x3c: {  	s31 =	simm.s32 $0x2800;
	[sflag:s13] =	ssyncadd.s32 $0xFFFFC000  }
0x3d: {  	[spmem:s1] =	stream.indirect.scatter.add.f32 [tilespmem:s12], [sflag:$0x2], $0x80, s31, s11, $0xb8;
	[tilespmem:$0x1CC00] =	vst v63  }
0x3e: {  	_ =	swait.ge [sflag:s9], $0x4000  }
0x3f: {  	s17 =	simm.s32 $0x200;
	s18 =	simm.s32 $0x400;
	[sflag:s9] =	ssyncset.done $0x0  }
.LBB2_6:
0x40: {  	s19 =	sshra.s32 s17, $0x2  }
0x41: {  	[sflag:s9] =	ssyncadd.s32 $0xFFFFC000;
	s17 =	smov.u32 s18;
	s20 =	sadd.s32 $0x200, s18  }
0x42: {  	[tilespmem:s12], [sflag:$0x1] =	stream.indirect.gather [hbm4b:s4+s11], $0x80, s19, s11, $0xb8;
	[tilespmem:$0x1CC00] =	vst v63  }
0x43: {  	p0 =	sne.s32 s18, $0x9C00;
	_ =	swait.ge [sflag:s13], $0x4000  }
.Ltmp2:
0x44: {  	[sflag:s13] =	ssyncset.done $0x0;
	(pc) =	sbr.rel @p0 .LBB2_6-.Ltmp2, $4  }
0x45: {  	s18 =	sadd.s32 $0x2800, s19;
	[sflag:s13] =	ssyncadd.s32 $0xFFFFC000  }
0x46: {  	[spmem:s1] =	stream.indirect.scatter.add.f32 [tilespmem:s12], [sflag:$0x2], $0x80, s18, s11, $0xb8;
	[tilespmem:$0x1CC00] =	vst v63  }
0x47: {  	_ =	swait.ge [sflag:s9], $0x4000  }
0x48: {  	s18 =	smov.u32 s20;
	[sflag:s9] =	ssyncset.done $0x0  }
0x49: {  	s17 =	sshra.s32 s17, $0x2;
	[sflag:s9] =	ssyncadd.s32 $0xFFFFC000  }
0x4a: {  	[tilespmem:s12], [sflag:$0x1] =	stream.indirect.gather [hbm4b:s4+s11], $0x80, s17, s11, $0xb8;
	[tilespmem:$0x1CC00] =	vst v63  }
0x4b: {  	_ =	swait.ge [sflag:s13], $0x4000  }
0x4c: {  	[sflag:s13] =	ssyncset.done $0x0  }
0x4d: {  	s17 =	sadd.s32 $0x2800, s17;
	[sflag:s13] =	ssyncadd.s32 $0xFFFFC000  }
0x4e: {  	[spmem:s1] =	stream.indirect.scatter.add.f32 [tilespmem:s12], [sflag:$0x2], $0x80, s17, s11, $0xb8;
	[tilespmem:$0x1CC00] =	vst v63  }
0x4f: {  	_ =	swait.ge [sflag:s9], $0x4000  }
0x50: {  	s16 =	sadd.s32 $0x1, s16;
	[sflag:s9] =	ssyncset.done $0x0  }
0x51: {  	p0 =	sne.s32 s16, s8;
	[sflag:s9] =	ssyncadd.s32 $0xFFFFC000  }
.Ltmp3:
0x52: {  	[bflag:$0x0] =	sbarrier.arrive $0xFFFF;
	(pc) =	sbr.rel @p0 .LBB2_1-.Ltmp3, $4  }
0x53: {  	[hbm:s7], [sflag:s14] =	dma.local [spmem:s15], $0x2780  }
0x54: {  	_ =	swait.ge [sflag:s9], $0x2780  }
0x55: {  	[sflag:s9] =	ssyncset.done $0x0  }
0x56: {  	[sflag:s9] =	ssyncadd.s32 $0xFFFFD880  }
0x57: {  	_ =	sfence.sel $0x180000  }
0x58: {  	[bflag:$0x0] =	sbarrier.arrive $0xFFFF  }
0x59: {  	p0 =	sne.s32 s2, $0x0;
	_ =	strace $0x9000004D  }
0x5a: {  	s0 =	sadd.s32 @!p0 $0x100000, s0;
	[bflag:$0x2] =	sbarrier.arrive $0xFFFF  }
0x5b: {  	[sflag:s0] =	ssyncadd.tile.s32 @!p0 $0x1;
	_ =	shalt  }
.Lfunc_end2:
_tile_overlayer_lowered:
.L_overlay_start_2:
0x5c: {  	(tag) =	ssettag $0x2  }
0x5d: {  	s0 =	rddreg [dreg:$0x0];
	s2 =	stileid.u32  }
0x5e: {  	s1 =	rddreg [dreg:$0x1];
	p0 =	sne.s32 s2, $0x0  }
0x5f: {  	s3 =	rddreg [dreg:$0x2];
	[bflag:$0x3] =	sbarrier.arrive $0xFFFF;
	s2 =	simm.s32 @!p0 $0x1C02  }
0x60: {  	[timem:s3], [sflag:s2] =	dma.local @!p0 [hbm:s0], s1  }
0x61: {  	s0 =	simm.s32 @!p0 $0x2  }
0x62: {  	_ =	swait.ge @!p0 [sflag:s0], s1  }
0x63: {  	s1 =	ssub.s32 @!p0 $0x0, s1;
	[sflag:s0] =	ssyncset.done @!p0 $0x0  }
0x64: {  	[sflag:s0] =	ssyncadd.s32 @!p0 s1  }
0x65: {  	[bflag:$0x3] =	sbarrier.arrive $0xFFFF  }
0x66: {  	_ =	shalt  }

// kernel: kernel.9.cloned.1.call-start
scs
__scs_entry_jumppad:
0x0: {  	(pc) =	sbr.rel $0x88, $3  }
0x1: {  	(tag) =	ssettag $0x0;
	lr =	simm.s32 $0x1  }
0x2: {  	[smem:$0x3F8F] =	sst lr;
	_ =	strace $0xD0000000  }
0x3: {  	_ = 	snop  }
0x4: {  	_ = 	snop  }
0x5: {  	_ = 	snop  }
0x6: {  	_ = 	snop  }
0x7: {  	_ = 	snop  }
__scs_overlays_trampoline_lowered:
0x8: {  	[smem:$0x3F9E] =	sst s0  }
0x9: {  	[smem:$0x3F9F] =	sst s1  }
0xa: {  	[smem:$0x3FA0] =	sst s2  }
0xb: {  	[smem:$0x3FA1] =	sst s3  }
0xc: {  	[smem:$0x3FA2] =	sst s4  }
0xd: {  	[smem:$0x3FA3] =	sst s5  }
0xe: {  	[smem:$0x3FA4] =	sst s6  }
0xf: {  	[smem:$0x3FA5] =	sst s7  }
0x10: {  	[smem:$0x3FA6] =	sst s8  }
0x11: {  	[smem:$0x3FA7] =	sst s9;
	s0 =	simm.s32 @!p0 $0x0  }
0x12: {  	s1 =	sld [smem:$0x3F8D];
	s0 =	simm.s32 @p0 $0x1  }
0x13: {  	[smem:$0x3FA8] =	sst s0;
	s0 =	simm.s32 @!p1 $0x0  }
0x14: {  	s2 =	sld [smem:$0x3F8C];
	s0 =	simm.s32 @p1 $0x1  }
0x15: {  	[smem:$0x3FA9] =	sst s0;
	s0 =	simm.s32 @!p2 $0x0  }
0x16: {  	s3 =	sld [smem:$0x3FDB];
	s0 =	simm.s32 @p2 $0x1  }
0x17: {  	s4 =	simm.s32 $0x1BF5;
	[smem:$0x3FAB] =	sst s0  }
0x18: {  	s0 =	sld [smem:$0x3F8E];
	_ =	swait.ge [sflag:s4], $0x0  }
0x19: {  	s7 =	sld [smem:$0x3F8F]  }
0x1a: {  	s8 =	sadd.s32 $0xFFFFE003, lr  }
0x1b: {  	s9 =	sadd.s32 $0xFFFFFEF7, lr;
	s5 =	simm.s32 $0xFFFFFFFF;
	p2 =	slt.u32 s8, $0xFFFFF086  }
0x1c: {  	p1 =	slt.u32 s9, $0xF7A;
	s5 =	simm.s32 @!p2 $0x0  }
0x1d: {  	s5 =	simm.s32 @p1 $0x1;
	p0 =	seq.s32 s7, s2  }
0x1e: {  	s7 =	smul.u32 @!p0 $0xF7A, s2;
	p2 =	seq.s32 @!p0 s5, $0x0  }
0x1f: {  	s9 =	smul.u32 $0xF7A, s1;
	s8 =	simm.s32 @!p0 $0x1BF5;
	p2 =	por !p2, p0  }
0x20: {  	[sflag:s8] =	ssyncset.s32 @!p0 $0xFFFFF086;
	s6 =	sadd.s32 @!p0 s3, s7;
	s7 =	simm.s32 @!p0 $0x108  }
0x21: {  	s3 =	sadd.s32 s3, s9;
	s6 =	sadd.s32 @!p0 $0x88, s6;
	s7 =	simm.s32 @p2 $0x1082  }
0x22: {  	[simem:s7], [sflag:s8] =	dma.local @!p0 [hbm:s6], $0xF7A  }
0x23: {  	s9 =	sor.u32 $0xD0000000, s2;
	s6 =	simm.s32 $0x108;
	_ =	swait.ge @!p0 [sflag:s8], $0x0  }
0x24: {  	s3 =	sadd.s32 $0x88, s3;
	s6 =	simm.s32 @!p1 $0x1082;
	[sflag:s4] =	ssyncset.s32 $0xFFFFF086  }
0x25: {  	[simem:s6], [sflag:s4] =	dma.local [hbm:s3], $0xF7A  }
0x26: {  	[smem:$0x3F8F] =	sst s1;
	(tag) =	ssettag s2;
	_ =	strace s9  }
0x27: {  	s1 =	sld [smem:$0x3F9F]  }
0x28: {  	s2 =	sld [smem:$0x3FA0]  }
0x29: {  	s4 =	sld [smem:$0x3FA2]  }
0x2a: {  	p0 =	seq.s32 s5, $0x0;
	s5 =	sld [smem:$0x3FA3]  }
0x2b: {  	s6 =	sld [smem:$0x3FA4]  }
0x2c: {  	s7 =	sld [smem:$0x3FA5]  }
0x2d: {  	s3 =	simm.s32 $0x108;
	s8 =	sld [smem:$0x3FA6]  }
0x2e: {  	s3 =	simm.s32 @!p0 $0x1082;
	s9 =	sld [smem:$0x3FA7]  }
0x2f: {  	lr =	sadd.s32 s0, s3;
	s0 =	sld [smem:$0x3F9E]  }
0x30: {  	s3 =	sld [smem:$0x3FA1]  }
0x31: {  	[smem:$0x3FAA] =	sst s10  }
0x32: {  	s10 =	sld [smem:$0x3FA8];
	_ =	sdelay $0x3  }
0x33: {  	p0 =	seq.s32 s10, $0x1;
	s10 =	sld [smem:$0x3FAA];
	_ =	sdelay $0x3  }
0x34: {  	[smem:$0x3FAA] =	sst s10  }
0x35: {  	s10 =	sld [smem:$0x3FA9];
	_ =	sdelay $0x3  }
0x36: {  	p1 =	seq.s32 s10, $0x1;
	s10 =	sld [smem:$0x3FAA];
	_ =	sdelay $0x3  }
0x37: {  	[smem:$0x3FAA] =	sst s10  }
0x38: {  	s10 =	sld [smem:$0x3FAB]  }
0x39: {  	_ = 	snop;
	(pc) =	sbr.ind lr, $3  }
0x3a: {  	_ = 	snop  }
0x3b: {  	_ = 	snop  }
0x3c: {  	p2 =	seq.s32 s10, $0x1;
	s10 =	sld [smem:$0x3FAA]  }
0x3d: {  	_ =	shalt  }
0x3e: {  	_ =	shalt  }
0x3f: {  	_ =	shalt  }
0x40: {  	_ =	shalt  }
0x41: {  	_ =	shalt  }
0x42: {  	_ =	shalt  }
0x43: {  	_ =	shalt  }
0x44: {  	_ =	shalt  }
0x45: {  	_ =	shalt  }
0x46: {  	_ =	shalt  }
0x47: {  	_ =	shalt  }
0x48: {  	_ =	shalt  }
0x49: {  	_ =	shalt  }
0x4a: {  	_ =	shalt  }
0x4b: {  	_ =	shalt  }
0x4c: {  	_ =	shalt  }
0x4d: {  	_ =	shalt  }
0x4e: {  	_ =	shalt  }
0x4f: {  	_ =	shalt  }
0x50: {  	_ =	shalt  }
0x51: {  	_ =	shalt  }
0x52: {  	_ =	shalt  }
0x53: {  	_ =	shalt  }
0x54: {  	_ =	shalt  }
0x55: {  	_ =	shalt  }
0x56: {  	_ =	shalt  }
0x57: {  	_ =	shalt  }
0x58: {  	_ =	shalt  }
0x59: {  	_ =	shalt  }
0x5a: {  	_ =	shalt  }
0x5b: {  	_ =	shalt  }
0x5c: {  	_ =	shalt  }
0x5d: {  	_ =	shalt  }
0x5e: {  	_ =	shalt  }
0x5f: {  	_ =	shalt  }
0x60: {  	_ =	shalt  }
0x61: {  	_ =	shalt  }
0x62: {  	_ =	shalt  }
0x63: {  	_ =	shalt  }
0x64: {  	_ =	shalt  }
0x65: {  	_ =	shalt  }
0x66: {  	_ =	shalt  }
0x67: {  	_ =	shalt  }
0x68: {  	_ =	shalt  }
0x69: {  	_ =	shalt  }
0x6a: {  	_ =	shalt  }
0x6b: {  	_ =	shalt  }
0x6c: {  	_ =	shalt  }
0x6d: {  	_ =	shalt  }
0x6e: {  	_ =	shalt  }
0x6f: {  	_ =	shalt  }
0x70: {  	_ =	shalt  }
0x71: {  	_ =	shalt  }
0x72: {  	_ =	shalt  }
0x73: {  	_ =	shalt  }
0x74: {  	_ =	shalt  }
0x75: {  	_ =	shalt  }
0x76: {  	_ =	shalt  }
0x77: {  	_ =	shalt  }
0x78: {  	_ =	shalt  }
0x79: {  	_ =	shalt  }
0x7a: {  	_ =	shalt  }
0x7b: {  	_ =	shalt  }
0x7c: {  	_ =	shalt  }
0x7d: {  	_ =	shalt  }
0x7e: {  	_ =	shalt  }
0x7f: {  	_ =	shalt  }
0x80: {  	_ =	shalt  }
0x81: {  	_ =	shalt  }
0x82: {  	_ =	shalt  }
0x83: {  	_ =	shalt  }
0x84: {  	_ =	shalt  }
0x85: {  	_ =	shalt  }
0x86: {  	_ =	shalt  }
0x87: {  	_ =	shalt  }
.Lfunc_end0:
.L_simem_size_0:
called_computation_lowered:
.L_overlay_start_0:
0x88: {  	s2 =	sld [smem:$0x3FD9]  }
0x89: {  	s3 =	sld [smem:$0x3FFE];
	_ =	sdelay $0x1  }
0x8a: {  	s1 =	srdreg.scid  }
0x8b: {  	s0 =	sand.u32 $0x1, s1  }
0x8c: {  	s17 =	sshll.u32 s0, $0xA;
	s2 =	sadd.s32 s3, s2  }
0x8d: {  	s2 =	sadd.s32 s2, s17  }
0x8e: {  	[smem:$0x3FB6] =	sst s2  }
0x8f: {  	_ = 	snop  }
0x90: {  	s2 =	sld [smem:$0x3FC9];
	(tm) =	ssettm $0x1  }
0x91: {  	s18 =	sld [smem:$0x3FFB];
	_ =	sdelay $0x3  }
0x92: {  	_ =	strace s18  }
0x93: {  	s3 =	sld [smem:$0x3FFC];
	_ =	sdelay $0x3  }
0x94: {  	_ =	strace s3  }
0x95: {  	s3 =	sld [smem:$0x3FFD];
	_ =	sdelay $0x3  }
0x96: {  	_ =	strace s3  }
0x97: {  	_ =	strace $0x8FFFFFFF  }
0x98: {  	s19 =	sld [smem:$0x3FDB];
	_ =	sdelay $0x1  }
0x99: {  	s4 =	simm.s32 $_scs_section_size  }
0x9a: {  	s5 =	simm.s32 $_size__tile_overlayer_lowered;
	s6 =	simm.s32 $_tile_overlayer_lowered  }
0x9b: {  	s22 =	simm.s32 $0x1BFF;
	s21 =	sshll.u32 s6, $0x1;
	s3 =	sadd.s32 s4, s19  }
0x9c: {  	s7 =	simm.s32 $0x0;
	s20 =	sshll.u32 s5, $0x1;
	s5 =	sadd.s32 s21, s3  }
0x9d: {  	[timem:s7], [sflag:s22] =	dma.local [hbm:s5], s20  }
0x9e: {  	_ =	swait.ge [sflag:s22], s20  }
0x9f: {  	s4 =	ssub.s32 $0x0, s20;
	[sflag:s22] =	ssyncset.done $0x0  }
0xa0: {  	[sflag:s22] =	ssyncadd.s32 s4;
	_ =	sdelay $0x1  }
0xa1: {  	s23 =	simm.s32 $0x1B8B  }
0xa2: {  	_ =	swait.ge [sflag:s23], $0x1  }
0xa3: {  	[sflag:s23] =	ssyncset.done $0x0  }
0xa4: {  	s25 =	simm.s32 $0x1B8E;
	s24 =	sld [smem:$0x3FFE];
	[sflag:s23] =	ssyncadd.s32 $0xFFFFFFFF  }
0xa5: {  	s26 =	simm.s32 $execute0_lowered;
	[smem:$0x3FD2] =	sst s25  }
0xa6: {  	s5 =	sshll.u32 s26, $0x1;
	_ =	strace $0x80000046;
	[dreg:$0x1] =	wrdreg $0xFFFFFFFF  }
0xa7: {  	s28 =	simm.s32 $_size_execute0_lowered;
	s3 =	sadd.s32 s3, s5;
	[dreg:$0x0] =	wrdreg $0x0  }
0xa8: {  	s5 =	sshll.u32 s28, $0x1;
	[dreg:$0x2] =	wrdreg s3  }
0xa9: {  	[dreg:$0x3] =	wrdreg s5  }
0xaa: {  	[dreg:$0x4] =	wrdreg $0xC0  }
0xab: {  	_ =	task [dreg:s7], $0x5FFFF  }
0xac: {  	[dreg:$0x1] =	wrdreg $0xFFFFFFFF  }
0xad: {  	[dreg:$0x0] =	wrdreg $0x60  }
0xae: {  	[dreg:$0x2] =	wrdreg s2  }
0xaf: {  	[dreg:$0x3] =	wrdreg s24  }
0xb0: {  	[dreg:$0x4] =	wrdreg $0x90000  }
0xb1: {  	[dreg:$0x5] =	wrdreg $0x9  }
0xb2: {  	_ =	task.clear_ibuf [dreg:s7], $0x6FFFF;
	_ =	strace $0x90000046  }
0xb3: {  	s29 =	simm.s32 $0x9;
	_ =	strace $0x80000048  }
0xb4: {  	_ =	swait.ge [sflag:s29], $0x1  }
0xb5: {  	[sflag:s29] =	ssyncadd.s32 $0xFFFFFFFF  }
0xb6: {  	_ =	strace $0x90000048  }
0xb7: {  	_ =	sfence  }
0xb8: {  	s30 =	sld [smem:$0x0];
	_ =	sdelay $0x2  }
0xb9: {  	s31 =	sshll.u32 s1, $0xD;
	s1 =	sshrl.u32 s1, $0x2  }
0xba: {  	s3 =	sand.u32 $0x4000, s31;
	s1 =	sadd.s32 s1, s30  }
0xbb: {  	s0 =	sor.u32 s3, s0;
	s1 =	sshll.u32 s1, $0x11  }
0xbc: {  	s0 =	sor.u32 s1, s0  }
0xbd: {  	s0 =	sadd.s32 $0x8F2B, s0  }
0xbe: {  	[sflag:s0] =	ssyncadd.remote.s32 $0x1  }
0xbf: {  	_ =	sfence.sel $0xFFFF  }
0xc0: {  	[dreg:$0x0] =	wrdreg $0xFFFFFFFF;
	(pc) =	sbr.abs _section_cstart, $3  }
0xc1: {  	[dreg:$0x1] =	wrdreg $0xFFFFFFFF  }
0xc2: {  	_ =	task.clear_ibuf [dreg:s7], $0x2FFFF;
	_ =	strace $0x9FFFFFFF  }
0xc3: {  	(tm) =	ssettm $0x7FFFFFFF  }
tec
execute0_lowered:
.L_overlay_start_1:
0x0: {  	(tag) =	ssettag $0x1  }
0x1: {  	s1 =	rddreg [dreg:$0x0]  }
0x2: {  	s5 =	rddreg [dreg:$0x1]  }
0x3: {  	s2 =	rddreg [dreg:$0x2]  }
0x4: {  	s3 =	srdreg.scid;
	s0 =	rddreg [dreg:$0x3]  }
0x5: {  	s4 =	simm.s32 $0x0;
	s11 =	simm.s32 $0x80;
	s12 =	simm.s32 $0x5000  }
0x6: {  	s13 =	simm.s32 $0x1;
	s6 =	sand.u32 $0x1, s3;
	s3 =	stileid.u32  }
0x7: {  	s16 =	simm.s32 $0x0;
	[smem:$0x7FF] =	sst s4;
	s7 =	smul.u32 $0x13C000, s6  }
0x8: {  	s8 =	sshll.u32 s6, $0x4;
	s9 =	smul.u32 $0x13C00, s3;
	_ =	strace $0x80000047  }
0x9: {  	s6 =	ssub.s32 $0x2, s6;
	s10 =	smul.u32 $0x4F000, s3;
	s14 =	sshll.u32 s3, $0x6  }
0xa: {  	s8 =	sor.u32 s3, s8;
	s30 =	sshrl.u32 s6, $0x1;
	s14 =	sor.u32 $0x1C02, s14  }
0xb: {  	s8 =	smul.u32 $0x500, s8;
	s7 =	sadd.s32 s9, s7;
	s9 =	ssub.s32 s6, s30  }
0xc: {  	s31 =	sshrl.u32 s10, $0x2;
	s10 =	simm.s32 $0x2800;
	s7 =	sshrl.u32 s7, $0x3  }
0xd: {  	s15 =	sadd.s32 s31, s2;
	s8 =	sadd.s32 s8, s5;
	s7 =	sadd.s32 s7, s5  }
0xe: {  	s15 =	sshrl.u32 s15, $0x3;
	s5 =	sadd.s32 $0x3A00, s8;
	s6 =	sadd.s32 $0xDA00, s8  }
0xf: {  	v0 =	vimm.f32 $0.0e+00;
	s7 =	sadd.s32 $0x17A00, s7;
	s8 =	smax.u32 s9, $0x1;
	s9 =	simm.s32 $0x2  }
.LBB2_1:
0x10: {  	[tilespmem:s4], [sflag:$0x2] =	stream.linear.gather [hbm4b:s5+s4], $0x2780, $0x38;
	[tilespmem:$0x1CC00] =	vst v63  }
0x11: {  	_ =	swait.ge [sflag:s9], $0x2780  }
0x12: {  	[sflag:s9] =	ssyncset.done $0x0  }
0x13: {  	[sflag:s9] =	ssyncadd.s32 $0xFFFFD880  }
0x14: {  	[tilespmem:s10], [sflag:$0x2] =	stream.linear.gather [hbm4b:s6+s4], $0x2780, $0x38;
	[tilespmem:$0x1CC00] =	vst v63  }
0x15: {  	_ =	swait.ge [sflag:s9], $0x2780  }
0x16: {  	[sflag:s9] =	ssyncset.done $0x0  }
0x17: {  	s17 =	simm.s32 $0x0;
	s18 =	simm.s32 $0x200;
	[sflag:s9] =	ssyncadd.s32 $0xFFFFD880  }
.LBB2_2:
0x18: {  	p0 =	sne.s32 s18, $0xFE00;
	[tilespmem:s17+$0x5070] =	vst v0  }
0x19: {  	[tilespmem:s17+$0x5000] =	vst v0  }
0x1a: {  	[tilespmem:s17+$0x5010] =	vst v0  }
.Ltmp0:
0x1b: {  	[tilespmem:s17+$0x5020] =	vst v0;
	(pc) =	sbr.rel @p0 .LBB2_2-.Ltmp0, $4  }
0x1c: {  	[tilespmem:s17+$0x5030] =	vst v0  }
0x1d: {  	[tilespmem:s17+$0x5040] =	vst v0  }
0x1e: {  	[tilespmem:s17+$0x5050] =	vst v0  }
0x1f: {  	[tilespmem:s17+$0x5060] =	vst v0;
	s17 =	sshra.s32 s18, $0x2;
	s18 =	sadd.s32 $0x200, s18  }
0x20: {  	[tilespmem:s17+$0x5070] =	vst v0  }
0x21: {  	[tilespmem:s17+$0x5000] =	vst v0  }
0x22: {  	[tilespmem:s17+$0x5010] =	vst v0  }
0x23: {  	[tilespmem:s17+$0x5020] =	vst v0  }
0x24: {  	[tilespmem:s17+$0x5030] =	vst v0;
	s18 =	simm.s32 $0x0  }
0x25: {  	[tilespmem:s17+$0x5040] =	vst v0;
	s18 =	sand.u32 $0xF, s18  }
0x26: {  	[tilespmem:s17+$0x5050] =	vst v0;
	p0 =	sne.s32 s18, s3  }
0x27: {  	[tilespmem:s17+$0x5060] =	vst v0;
	s17 =	simm.s32 @!p0 $0x5000;
	s20 =	simm.s32 @!p0 $0x2  }
0x28: {  	[spmem:s2] =	stream.linear.scatter @!p0 [tilespmem:s17], [sflag:$0x2], $0x4000, $0x38;
	[tilespmem:$0x1CC00] =	vst v63  }
0x29: {  	s19 =	simm.s32 $0x2;
	_ =	swait.ge @!p0 [sflag:s20], $0x4000  }
0x2a: {  	s18 =	simm.s32 $0x1;
	s17 =	sadd.s32 $0x4000, s2;
	[sflag:s20] =	ssyncset.done @!p0 $0x0  }
.LBB2_4:
0x2b: {  	s21 =	sand.u32 $0xF, s18;
	s18 =	smov.u32 s19;
	s19 =	sadd.s32 $0x1, s19  }
0x2c: {  	[sflag:s20] =	ssyncadd.s32 @!p0 $0xFFFFC000;
	p1 =	sne.s32 s19, $0x4F  }
.Ltmp1:
0x2d: {  	p0 =	sne.s32 s21, s3;
	(pc) =	sbr.rel @p1 .LBB2_4-.Ltmp1, $4  }
0x2e: {  	s21 =	simm.s32 @!p0 $0x5000;
	s20 =	simm.s32 @!p0 $0x2  }
0x2f: {  	[spmem:s17] =	stream.linear.scatter @!p0 [tilespmem:s21], [sflag:$0x2], $0x4000, $0x38;
	[tilespmem:$0x1CC00] =	vst v63  }
0x30: {  	_ =	swait.ge @!p0 [sflag:s20], $0x4000  }
0x31: {  	s17 =	sadd.s32 $0x4000, s17;
	[sflag:s20] =	ssyncset.done @!p0 $0x0  }
0x32: {  	s18 =	sand.u32 $0xF, s18  }
0x33: {  	p1 =	sne.s32 s18, s3  }
0x34: {  	[sflag:s20] =	ssyncadd.s32 @!p0 $0xFFFFC000;
	s18 =	simm.s32 @!p1 $0x5000;
	s19 =	simm.s32 @!p1 $0x2  }
0x35: {  	[spmem:s17] =	stream.linear.scatter @!p1 [tilespmem:s18], [sflag:$0x2], $0x4000, $0x38;
	[tilespmem:$0x1CC00] =	vst v63  }
0x36: {  	_ =	swait.ge @!p1 [sflag:s19], $0x4000  }
0x37: {  	[sflag:s19] =	ssyncset.done @!p1 $0x0  }
0x38: {  	[sflag:s19] =	ssyncadd.s32 @!p1 $0xFFFFC000  }
0x39: {  	s30 =	simm.s32 $0x0;
	[bflag:$0x0] =	sbarrier.arrive $0xFFFF  }
0x3a: {  	[tilespmem:s12], [sflag:$0x1] =	stream.indirect.gather [hbm4b:s1+s11], $0x80, s30, s11, $0xb8;
	[tilespmem:$0x1CC00] =	vst v63  }
0x3b: {  	_ =	swait.ge [sflag:s13], $0x4000  }
0x3c: {  	[sflag:s13] =	ssyncset.done $0x0  }
0x3d: {  	s31 =	simm.s32 $0x2800;
	[sflag:s13] =	ssyncadd.s32 $0xFFFFC000  }
0x3e: {  	[spmem:s2] =	stream.indirect.scatter.add.f32 [tilespmem:s12], [sflag:$0x2], $0x80, s31, s11, $0xb8;
	[tilespmem:$0x1CC00] =	vst v63  }
0x3f: {  	_ =	swait.ge [sflag:s9], $0x4000  }
0x40: {  	s17 =	simm.s32 $0x200;
	s18 =	simm.s32 $0x400;
	[sflag:s9] =	ssyncset.done $0x0  }
.LBB2_6:
0x41: {  	s19 =	sshra.s32 s17, $0x2  }
0x42: {  	[sflag:s9] =	ssyncadd.s32 $0xFFFFC000;
	s17 =	smov.u32 s18;
	s20 =	sadd.s32 $0x200, s18  }
0x43: {  	[tilespmem:s12], [sflag:$0x1] =	stream.indirect.gather [hbm4b:s1+s11], $0x80, s19, s11, $0xb8;
	[tilespmem:$0x1CC00] =	vst v63  }
0x44: {  	p0 =	sne.s32 s18, $0x9C00;
	_ =	swait.ge [sflag:s13], $0x4000  }
.Ltmp2:
0x45: {  	[sflag:s13] =	ssyncset.done $0x0;
	(pc) =	sbr.rel @p0 .LBB2_6-.Ltmp2, $4  }
0x46: {  	s18 =	sadd.s32 $0x2800, s19;
	[sflag:s13] =	ssyncadd.s32 $0xFFFFC000  }
0x47: {  	[spmem:s2] =	stream.indirect.scatter.add.f32 [tilespmem:s12], [sflag:$0x2], $0x80, s18, s11, $0xb8;
	[tilespmem:$0x1CC00] =	vst v63  }
0x48: {  	_ =	swait.ge [sflag:s9], $0x4000  }
0x49: {  	s18 =	smov.u32 s20;
	[sflag:s9] =	ssyncset.done $0x0  }
0x4a: {  	s17 =	sshra.s32 s17, $0x2;
	[sflag:s9] =	ssyncadd.s32 $0xFFFFC000  }
0x4b: {  	[tilespmem:s12], [sflag:$0x1] =	stream.indirect.gather [hbm4b:s1+s11], $0x80, s17, s11, $0xb8;
	[tilespmem:$0x1CC00] =	vst v63  }
0x4c: {  	_ =	swait.ge [sflag:s13], $0x4000  }
0x4d: {  	[sflag:s13] =	ssyncset.done $0x0  }
0x4e: {  	s17 =	sadd.s32 $0x2800, s17;
	[sflag:s13] =	ssyncadd.s32 $0xFFFFC000  }
0x4f: {  	[spmem:s2] =	stream.indirect.scatter.add.f32 [tilespmem:s12], [sflag:$0x2], $0x80, s17, s11, $0xb8;
	[tilespmem:$0x1CC00] =	vst v63  }
0x50: {  	_ =	swait.ge [sflag:s9], $0x4000  }
0x51: {  	s16 =	sadd.s32 $0x1, s16;
	[sflag:s9] =	ssyncset.done $0x0  }
0x52: {  	p0 =	sne.s32 s16, s8;
	[sflag:s9] =	ssyncadd.s32 $0xFFFFC000  }
.Ltmp3:
0x53: {  	[bflag:$0x0] =	sbarrier.arrive $0xFFFF;
	(pc) =	sbr.rel @p0 .LBB2_1-.Ltmp3, $4  }
0x54: {  	[hbm:s7], [sflag:s14] =	dma.local [spmem:s15], $0x2780  }
0x55: {  	_ =	swait.ge [sflag:s9], $0x2780  }
0x56: {  	[sflag:s9] =	ssyncset.done $0x0  }
0x57: {  	[sflag:s9] =	ssyncadd.s32 $0xFFFFD880  }
0x58: {  	_ =	sfence.sel $0x180000  }
0x59: {  	[bflag:$0x0] =	sbarrier.arrive $0xFFFF  }
0x5a: {  	p0 =	sne.s32 s3, $0x0;
	_ =	strace $0x90000047  }
0x5b: {  	s0 =	sadd.s32 @!p0 $0x100000, s0;
	[bflag:$0x2] =	sbarrier.arrive $0xFFFF  }
0x5c: {  	[sflag:s0] =	ssyncadd.tile.s32 @!p0 $0x1;
	_ =	shalt  }
.Lfunc_end2:
_tile_overlayer_lowered:
.L_overlay_start_2:
0x5d: {  	(tag) =	ssettag $0x2  }
0x5e: {  	s0 =	rddreg [dreg:$0x0];
	s2 =	stileid.u32  }
0x5f: {  	s1 =	rddreg [dreg:$0x1];
	p0 =	sne.s32 s2, $0x0  }
0x60: {  	s3 =	rddreg [dreg:$0x2];
	[bflag:$0x3] =	sbarrier.arrive $0xFFFF;
	s2 =	simm.s32 @!p0 $0x1C02  }
0x61: {  	[timem:s3], [sflag:s2] =	dma.local @!p0 [hbm:s0], s1  }
0x62: {  	s0 =	simm.s32 @!p0 $0x2  }
0x63: {  	_ =	swait.ge @!p0 [sflag:s0], s1  }
0x64: {  	s1 =	ssub.s32 @!p0 $0x0, s1;
	[sflag:s0] =	ssyncset.done @!p0 $0x0  }
0x65: {  	[sflag:s0] =	ssyncadd.s32 @!p0 s1  }
0x66: {  	[bflag:$0x3] =	sbarrier.arrive $0xFFFF  }
0x67: {  	_ =	shalt  }

</sc_bundles>
